<compile_context>
chip_gen: v7x
topology: tpu7x:2x2x1
jax: 0.10.2.dev20260603
libtpu: 0.0.44.dev20260713+nightly
codegen_flags: <defaults>
</compile_context>

<pallas_src>
import dataclasses

import jax
import jax.numpy as jnp
from jax import lax
from jax.experimental import pallas as pl
from jax.experimental.pallas import tpu as pltpu
from jax.experimental.pallas import tpu_sc as plsc

N_NODES = 10000
N_PAD = 10240
N_EDGES = 320000
D = 128

NC = 2
NS = 16
NW = NC * NS
E_PER_W = N_EDGES // NW
CH = 200
NCHUNK = E_PER_W // CH
ROWS_PER_TILE = N_PAD // NS

_MESH = plsc.VectorSubcoreMesh(core_axis_name="c", subcore_axis_name="s",
                               num_cores=NC, num_subcores=NS)

_ROWS_PER_BLOCK = 1024
_GRID = N_PAD // _ROWS_PER_BLOCK

_SC_PARAMS = pltpu.CompilerParams()
if "needs_layout_passes" in pltpu.CompilerParams.__dataclass_fields__:
    _SC_PARAMS = dataclasses.replace(_SC_PARAMS, needs_layout_passes=False)



def _zero_rows(rows_v, width):
    zero = jnp.zeros((16,), jnp.float32)

    @pl.loop(0, rows_v.shape[0])
    def _(i):
        for f in range(width // 16):
            rows_v[i, pl.ds(16 * f, 16)] = zero


def _zero_acc(rows_v, acc_sh, sid, rows_per_tile):
    base = sid * rows_per_tile
    for ofs in range(0, rows_per_tile, CH):
        n = min(CH, rows_per_tile - ofs)
        pltpu.sync_copy(rows_v.at[pl.ds(0, n)], acc_sh.at[pl.ds(base + ofs, n)])


def _deg_body(dst_hbm, ew_hbm, out_hbm, acc_sh, msg_v, dst_v, ew_v, sem):
    cid = lax.axis_index("c")
    sid = lax.axis_index("s")
    wid = cid * NS + sid

    _zero_rows(msg_v, 16)
    _zero_acc(msg_v, acc_sh, sid, ROWS_PER_TILE)
    plsc.subcore_barrier()

    ebase = wid * E_PER_W

    @pl.loop(0, NCHUNK)
    def _(k):
        cb = ebase + k * CH
        pltpu.sync_copy(dst_hbm.at[pl.ds(cb, CH)], dst_v)
        pltpu.sync_copy(ew_hbm.at[pl.ds(cb, CH)], ew_v)

        @pl.loop(0, CH)
        def _(e):
            w = plsc.load_gather(ew_v, [jnp.full((16,), e, jnp.int32)])
            msg_v[e, pl.ds(0, 16)] = w

        pltpu.async_copy(msg_v, acc_sh.at[dst_v], sem, add=True).wait()

    plsc.subcore_barrier()
    base = sid * ROWS_PER_TILE
    pltpu.sync_copy(acc_sh.at[pl.ds(base, ROWS_PER_TILE)],
                    out_hbm.at[cid].at[pl.ds(base, ROWS_PER_TILE)])


def _sc_degree(dst, ew):
    return pl.kernel(
        _deg_body,
        out_type=jax.ShapeDtypeStruct((NC, N_PAD, 16), jnp.float32),
        mesh=_MESH,
        scratch_types=[
            pltpu.VMEM_SHARED((N_PAD, 16), jnp.float32),
            pltpu.VMEM((CH, 16), jnp.float32),
            pltpu.VMEM((CH,), jnp.int32),
            pltpu.VMEM((CH,), jnp.float32),
            pltpu.SemaphoreType.DMA,
        ],
        compiler_params=_SC_PARAMS,
    )(dst, ew)


def _agg_body(g_hbm, src_hbm, dst_hbm, ew_hbm, out_hbm,
              acc_sh, rows_v, src_v, dst_v, ew_v, sem):
    cid = lax.axis_index("c")
    sid = lax.axis_index("s")
    wid = cid * NS + sid

    _zero_rows(rows_v, D)
    _zero_acc(rows_v, acc_sh, sid, ROWS_PER_TILE)
    plsc.subcore_barrier()

    ebase = wid * E_PER_W

    @pl.loop(0, NCHUNK)
    def _(k):
        cb = ebase + k * CH
        pltpu.sync_copy(src_hbm.at[pl.ds(cb, CH)], src_v)
        pltpu.sync_copy(dst_hbm.at[pl.ds(cb, CH)], dst_v)
        pltpu.sync_copy(ew_hbm.at[pl.ds(cb, CH)], ew_v)
        pltpu.async_copy(g_hbm.at[src_v], rows_v, sem).wait()

        @pl.loop(0, CH)
        def _(e):
            w = plsc.load_gather(ew_v, [jnp.full((16,), e, jnp.int32)])
            for f in range(D // 16):
                sl = pl.ds(16 * f, 16)
                rows_v[e, sl] = rows_v[e, sl] * w

        pltpu.async_copy(rows_v, acc_sh.at[dst_v], sem, add=True).wait()

    plsc.subcore_barrier()
    base = sid * ROWS_PER_TILE
    pltpu.sync_copy(acc_sh.at[pl.ds(base, ROWS_PER_TILE)],
                    out_hbm.at[cid].at[pl.ds(base, ROWS_PER_TILE)])


def _sc_aggregate(g, src, dst, ew):
    return pl.kernel(
        _agg_body,
        out_type=jax.ShapeDtypeStruct((NC, N_PAD, D), jnp.float32),
        mesh=_MESH,
        scratch_types=[
            pltpu.VMEM_SHARED((N_PAD, D), jnp.float32),
            pltpu.VMEM((CH, D), jnp.float32),
            pltpu.VMEM((CH,), jnp.int32),
            pltpu.VMEM((CH,), jnp.int32),
            pltpu.VMEM((CH,), jnp.float32),
            pltpu.SemaphoreType.DMA,
        ],
        compiler_params=_SC_PARAMS,
    )(g, src, dst, ew)



def _mm_rows_spec():
    return pl.BlockSpec((_ROWS_PER_BLOCK, D), lambda i: (i, 0))


def _w_spec():
    return pl.BlockSpec((D, D), lambda i: (0, 0))


def _mm_body(x_ref, w_ref, o_ref):
    o_ref[...] = jnp.dot(x_ref[...], w_ref[...],
                         preferred_element_type=jnp.float32)


def _tc_matmul(x, W):
    return pl.pallas_call(
        _mm_body,
        grid=(_GRID,),
        in_specs=[_mm_rows_spec(), _w_spec()],
        out_specs=_mm_rows_spec(),
        out_shape=jax.ShapeDtypeStruct((N_PAD, D), jnp.float32),
    )(x, W)


def _dinv_g_body(deg_ref, h_ref, g_ref, dinv_ref):
    deg = deg_ref[0, :, 0:1] + deg_ref[1, :, 0:1] + 1.0
    dinv = lax.rsqrt(deg)
    dinv_ref[...] = dinv
    g_ref[...] = dinv * h_ref[...]


def _tc_dinv_g(deg_parts, h1):
    return pl.pallas_call(
        _dinv_g_body,
        grid=(_GRID,),
        in_specs=[
            pl.BlockSpec((NC, _ROWS_PER_BLOCK, 16), lambda i: (0, i, 0)),
            _mm_rows_spec(),
        ],
        out_specs=[
            _mm_rows_spec(),
            pl.BlockSpec((_ROWS_PER_BLOCK, 1), lambda i: (i, 0)),
        ],
        out_shape=[
            jax.ShapeDtypeStruct((N_PAD, D), jnp.float32),
            jax.ShapeDtypeStruct((N_PAD, 1), jnp.float32),
        ],
    )(deg_parts, h1)


def _mid_body(p_ref, g_ref, dinv_ref, b_ref, w_ref, g2_ref):
    s = dinv_ref[...] * (p_ref[0] + p_ref[1] + g_ref[...]) + b_ref[...]
    x1 = jnp.maximum(s, 0.0)
    g2_ref[...] = dinv_ref[...] * jnp.dot(x1, w_ref[...],
                                          preferred_element_type=jnp.float32)


def _tc_mid(parts1, g1, dinv, b1, W2):
    return pl.pallas_call(
        _mid_body,
        grid=(_GRID,),
        in_specs=[
            pl.BlockSpec((NC, _ROWS_PER_BLOCK, D), lambda i: (0, i, 0)),
            _mm_rows_spec(),
            pl.BlockSpec((_ROWS_PER_BLOCK, 1), lambda i: (i, 0)),
            pl.BlockSpec((1, D), lambda i: (0, 0)),
            _w_spec(),
        ],
        out_specs=_mm_rows_spec(),
        out_shape=jax.ShapeDtypeStruct((N_PAD, D), jnp.float32),
    )(parts1, g1, dinv, b1.reshape(1, D), W2)


def _fin_body(p_ref, g_ref, dinv_ref, b_ref, o_ref):
    o_ref[...] = dinv_ref[...] * (p_ref[0] + p_ref[1] + g_ref[...]) + b_ref[...]


def _tc_fin(parts2, g2, dinv, b2):
    return pl.pallas_call(
        _fin_body,
        grid=(_GRID,),
        in_specs=[
            pl.BlockSpec((NC, _ROWS_PER_BLOCK, D), lambda i: (0, i, 0)),
            _mm_rows_spec(),
            pl.BlockSpec((_ROWS_PER_BLOCK, 1), lambda i: (i, 0)),
            pl.BlockSpec((1, D), lambda i: (0, 0)),
        ],
        out_specs=_mm_rows_spec(),
        out_shape=jax.ShapeDtypeStruct((N_PAD, D), jnp.float32),
    )(parts2, g2, dinv, b2.reshape(1, D))



def kernel(x, edge_index, edge_weight, W1, b1, W2, b2):
    src = edge_index[0].astype(jnp.int32)
    dst = edge_index[1].astype(jnp.int32)
    ew = edge_weight.astype(jnp.float32)
    x = jnp.pad(x, ((0, N_PAD - N_NODES), (0, 0)))

    deg_parts = _sc_degree(dst, ew)
    h1 = _tc_matmul(x, W1)
    g1, dinv = _tc_dinv_g(deg_parts, h1)
    parts1 = _sc_aggregate(g1, src, dst, ew)
    g2 = _tc_mid(parts1, g1, dinv, b1, W2)
    parts2 = _sc_aggregate(g2, src, dst, ew)
    out = _tc_fin(parts2, g2, dinv, b2)
    return out[:N_NODES]

# --- scband reference (transcript-rebuilt; emitter-appended) ---
"""Pipeline reference for scband-gcn-64132451664586 (READ-ONLY COPY).

The authoritative reference and input builder live on the scoring server;
editing this copy changes nothing except your own understanding.
"""

import jax, jax.numpy as jnp
import numpy as np

N_NODES = 10000
N_EDGES = 320000
D_IN = 128
D_HID = 128
D_OUT = 128


def setup_inputs(seed: int = 0) -> dict:
    key = jax.random.key(seed)
    ks = jax.random.split(key, 8)
    x = jax.random.normal(ks[0], (N_NODES, D_IN), dtype=jnp.float32)
    edge_index = jax.random.randint(ks[1], (2, N_EDGES), 0, N_NODES, dtype=jnp.int64)
    edge_weight = jax.random.uniform(ks[2], (N_EDGES,), dtype=jnp.float32)
    s1 = 1.0 / np.sqrt(D_IN)
    s2 = 1.0 / np.sqrt(D_HID)
    W1 = jax.random.uniform(ks[3], (D_IN, D_HID), dtype=jnp.float32, minval=-s1, maxval=s1)
    b1 = jnp.zeros((D_HID,), dtype=jnp.float32)
    W2 = jax.random.uniform(ks[4], (D_HID, D_OUT), dtype=jnp.float32, minval=-s2, maxval=s2)
    b2 = jnp.zeros((D_OUT,), dtype=jnp.float32)
    return {"x": x, "edge_index": edge_index, "edge_weight": edge_weight,
            "W1": W1, "b1": b1, "W2": W2, "b2": b2}


def _gcn_conv(x, src, dst, ew, W, b):
    # PyG-style GCNConv: add self-loops, symmetric normalization, linear transform,
    # scatter-add aggregation, plus bias.
    N = x.shape[0]
    loop = jnp.arange(N, dtype=src.dtype)
    src_f = jnp.concatenate([src, loop])
    dst_f = jnp.concatenate([dst, loop])
    ew_f = jnp.concatenate([ew, jnp.ones((N,), dtype=ew.dtype)])
    deg = jnp.zeros((N,), dtype=ew.dtype).at[dst_f].add(ew_f)
    dinv = jnp.where(deg > 0, jax.lax.rsqrt(deg), 0.0)
    norm = dinv[src_f] * ew_f * dinv[dst_f]
    h = x @ W
    msg = jnp.take(h, src_f, axis=0) * norm[:, None]
    out = jnp.zeros((N, W.shape[1]), dtype=h.dtype).at[dst_f].add(msg)
    return out + b


def reference(x, edge_index, edge_weight, W1, b1, W2, b2):
    src = edge_index[0]
    dst = edge_index[1]
    x1 = _gcn_conv(x, src, dst, edge_weight, W1, b1)
    x1 = jax.nn.relu(x1)
    x2 = _gcn_conv(x1, src, dst, edge_weight, W2, b2)
    return x2

if __name__ == "__main__":
    import jax
    _d = setup_inputs()
    print(jax.jit(kernel)(*tuple(_d.values())))

</pallas_src>

<mosaic_0001>
#map = affine_map<(d0, d1) -> (0)>
#map1 = affine_map<(d0, d1) -> (0, 0, 0)>
module attributes {stable_mosaic.version = 14 : i64} {
  func.func @_deg_body(%arg0: i32, %arg1: i32, %arg2: memref<320000xi32, #tpu.memory_space<hbm>>, %arg3: memref<320000xf32, #tpu.memory_space<hbm>>, %arg4: memref<2x10240x16xf32, #tpu.memory_space<hbm>>, %arg5: memref<10240x16xf32, #tpu.memory_space<vmem_shared>>, %arg6: memref<200x16xf32, #tpu.memory_space<vmem>>, %arg7: memref<200xi32, #tpu.memory_space<vmem>>, %arg8: memref<200xf32, #tpu.memory_space<vmem>>, %arg9: memref<!tpu.dma_semaphore, #tpu.memory_space<semaphore_mem>>) attributes {dimension_semantics = [#tpu.dimension_semantics<core_parallel>, #tpu.dimension_semantics<subcore_parallel>], iteration_bounds = array<i64: 2, 16>, scalar_prefetch = 0 : i64, scratch_operands = 5 : i64, tpu.core_type = #tpu.core_type<sc_vector_subcore>, window_params = [{transform_indices = #map}, {transform_indices = #map}, {transform_indices = #map1}]} {
    %mul3A = arith.constant 16 : i32
    %mul3A_0 = arith.muli %arg0, %mul3A : i32
    %add3A = arith.addi %mul3A_0, %arg1 : i32
    %broadcast_in_dim3A = arith.constant 0.000000e+00 : f32
    %broadcast_in_dim3A_1 = vector.broadcast %broadcast_in_dim3A : f32 to vector<16xf32>
    %scan3A = arith.constant 0 : i32
    %scan3A_2 = arith.constant 200 : i32
    %scan3A_3 = arith.addi %scan3A, %scan3A_2 : i32
    %scan3A_4 = arith.constant 1 : i32
    scf.for %scan3A_26 = %scan3A to %scan3A_3 step %scan3A_4  : i32 {
      %mul3A_27 = arith.constant 1 : i32
      %mul3A_28 = arith.muli %scan3A_26, %mul3A_27 : i32
      %add3A_29 = arith.constant 0 : i32
      %add3A_30 = arith.addi %add3A_29, %mul3A_28 : i32
      %swap3A = arith.index_cast %add3A_30 : i32 to index
      %swap3A_31 = arith.constant 0 : index
      %swap3A_32 = tpu.vector_load %arg6[%swap3A, %swap3A_31] {strides = array<i32>} : memref<200x16xf32, #tpu.memory_space<vmem>>, vector<16xf32>,
      tpu.vector_store %arg6[%swap3A, %swap3A_31], %broadcast_in_dim3A_1 {strides = array<i32>} : memref<200x16xf32, #tpu.memory_space<vmem>>, vector<16xf32>,
    }
    %scan3A_5 = arith.constant 200 : i32
    %mul3A_6 = arith.constant 640 : i32
    %mul3A_7 = arith.muli %arg1, %mul3A_6 : i32
    %add3A_8 = arith.constant 0 : i32
    %add3A_9 = arith.addi %mul3A_7, %add3A_8 : i32
    "tpu.region"() ({
      %run_scoped3A = tpu.sem_alloc : memref<!tpu.dma_semaphore, #tpu.memory_space<semaphore_mem>>
      %dma_start3A = arith.constant 0 : i32
      %dma_start3A_26 = arith.constant 0 : i32
      %dma_start3A_27 = tpu.memref_slice %arg6[%dma_start3A, %dma_start3A_26] : memref<200x16xf32, #tpu.memory_space<vmem>> -> memref<200x16xf32, #tpu.memory_space<vmem>>
      %dma_start3A_28 = arith.constant 0 : i32
      %dma_start3A_29 = tpu.memref_slice %arg5[%add3A_9, %dma_start3A_28] : memref<10240x16xf32, #tpu.memory_space<vmem_shared>> -> memref<200x16xf32, #tpu.memory_space<vmem_shared>>
      %dma_start3A_30 = arith.constant 0 : i32
      %dma_start3A_31 = tpu.memref_slice %arg5[%add3A_9, %dma_start3A_30] : memref<10240x16xf32, #tpu.memory_space<vmem_shared>> -> memref<200x16xf32, #tpu.memory_space<vmem_shared>>
      %dma_start3A_32 = arith.constant 0 : i32
      %dma_start3A_33 = arith.constant 0 : i32
      %dma_start3A_34 = tpu.memref_slice %arg6[%dma_start3A_32, %dma_start3A_33] : memref<200x16xf32, #tpu.memory_space<vmem>> -> memref<200x16xf32, #tpu.memory_space<vmem>>
      tpu.enqueue_dma source(%dma_start3A_34 : memref<200x16xf32, #tpu.memory_space<vmem>>) target(%dma_start3A_31 : memref<200x16xf32, #tpu.memory_space<vmem_shared>>) target_semaphore(%run_scoped3A : memref<!tpu.dma_semaphore, #tpu.memory_space<semaphore_mem>>)
      %dma_wait3A = arith.constant 0 : i32
      %dma_wait3A_35 = arith.constant 0 : i32
      %dma_wait3A_36 = tpu.memref_slice %arg6[%dma_wait3A, %dma_wait3A_35] : memref<200x16xf32, #tpu.memory_space<vmem>> -> memref<200x16xf32, #tpu.memory_space<vmem>>
      %dma_wait3A_37 = arith.constant 0 : i32
      %dma_wait3A_38 = tpu.memref_slice %arg5[%add3A_9, %dma_wait3A_37] : memref<10240x16xf32, #tpu.memory_space<vmem_shared>> -> memref<200x16xf32, #tpu.memory_space<vmem_shared>>
      %dma_wait3A_39 = arith.constant 0 : i32
      %dma_wait3A_40 = tpu.memref_slice %arg5[%add3A_9, %dma_wait3A_39] : memref<10240x16xf32, #tpu.memory_space<vmem_shared>> -> memref<200x16xf32, #tpu.memory_space<vmem_shared>>
      %dma_wait3A_41 = arith.constant 0 : i32
      %dma_wait3A_42 = arith.constant 0 : i32
      %dma_wait3A_43 = tpu.memref_slice %arg6[%dma_wait3A_41, %dma_wait3A_42] : memref<200x16xf32, #tpu.memory_space<vmem>> -> memref<200x16xf32, #tpu.memory_space<vmem>>
      tpu.wait_dma2 semaphore(%run_scoped3A : memref<!tpu.dma_semaphore, #tpu.memory_space<semaphore_mem>>) src(%dma_wait3A_43 : memref<200x16xf32, #tpu.memory_space<vmem>>) dst(%dma_wait3A_40 : memref<200x16xf32, #tpu.memory_space<vmem_shared>>)
      tpu.yield
    }) : () -> ()
    %add3A_10 = arith.constant 200 : i32
    %add3A_11 = arith.addi %mul3A_7, %add3A_10 : i32
    "tpu.region"() ({
      %run_scoped3A = tpu.sem_alloc : memref<!tpu.dma_semaphore, #tpu.memory_space<semaphore_mem>>
      %dma_start3A = arith.constant 0 : i32
      %dma_start3A_26 = arith.constant 0 : i32
      %dma_start3A_27 = tpu.memref_slice %arg6[%dma_start3A, %dma_start3A_26] : memref<200x16xf32, #tpu.memory_space<vmem>> -> memref<200x16xf32, #tpu.memory_space<vmem>>
      %dma_start3A_28 = arith.constant 0 : i32
      %dma_start3A_29 = tpu.memref_slice %arg5[%add3A_11, %dma_start3A_28] : memref<10240x16xf32, #tpu.memory_space<vmem_shared>> -> memref<200x16xf32, #tpu.memory_space<vmem_shared>>
      %dma_start3A_30 = arith.constant 0 : i32
      %dma_start3A_31 = tpu.memref_slice %arg5[%add3A_11, %dma_start3A_30] : memref<10240x16xf32, #tpu.memory_space<vmem_shared>> -> memref<200x16xf32, #tpu.memory_space<vmem_shared>>
      %dma_start3A_32 = arith.constant 0 : i32
      %dma_start3A_33 = arith.constant 0 : i32
      %dma_start3A_34 = tpu.memref_slice %arg6[%dma_start3A_32, %dma_start3A_33] : memref<200x16xf32, #tpu.memory_space<vmem>> -> memref<200x16xf32, #tpu.memory_space<vmem>>
      tpu.enqueue_dma source(%dma_start3A_34 : memref<200x16xf32, #tpu.memory_space<vmem>>) target(%dma_start3A_31 : memref<200x16xf32, #tpu.memory_space<vmem_shared>>) target_semaphore(%run_scoped3A : memref<!tpu.dma_semaphore, #tpu.memory_space<semaphore_mem>>)
      %dma_wait3A = arith.constant 0 : i32
      %dma_wait3A_35 = arith.constant 0 : i32
      %dma_wait3A_36 = tpu.memref_slice %arg6[%dma_wait3A, %dma_wait3A_35] : memref<200x16xf32, #tpu.memory_space<vmem>> -> memref<200x16xf32, #tpu.memory_space<vmem>>
      %dma_wait3A_37 = arith.constant 0 : i32
      %dma_wait3A_38 = tpu.memref_slice %arg5[%add3A_11, %dma_wait3A_37] : memref<10240x16xf32, #tpu.memory_space<vmem_shared>> -> memref<200x16xf32, #tpu.memory_space<vmem_shared>>
      %dma_wait3A_39 = arith.constant 0 : i32
      %dma_wait3A_40 = tpu.memref_slice %arg5[%add3A_11, %dma_wait3A_39] : memref<10240x16xf32, #tpu.memory_space<vmem_shared>> -> memref<200x16xf32, #tpu.memory_space<vmem_shared>>
      %dma_wait3A_41 = arith.constant 0 : i32
      %dma_wait3A_42 = arith.constant 0 : i32
      %dma_wait3A_43 = tpu.memref_slice %arg6[%dma_wait3A_41, %dma_wait3A_42] : memref<200x16xf32, #tpu.memory_space<vmem>> -> memref<200x16xf32, #tpu.memory_space<vmem>>
      tpu.wait_dma2 semaphore(%run_scoped3A : memref<!tpu.dma_semaphore, #tpu.memory_space<semaphore_mem>>) src(%dma_wait3A_43 : memref<200x16xf32, #tpu.memory_space<vmem>>) dst(%dma_wait3A_40 : memref<200x16xf32, #tpu.memory_space<vmem_shared>>)
      tpu.yield
    }) : () -> ()
    %add3A_12 = arith.constant 400 : i32
    %add3A_13 = arith.addi %mul3A_7, %add3A_12 : i32
    "tpu.region"() ({
      %run_scoped3A = tpu.sem_alloc : memref<!tpu.dma_semaphore, #tpu.memory_space<semaphore_mem>>
      %dma_start3A = arith.constant 0 : i32
      %dma_start3A_26 = arith.constant 0 : i32
      %dma_start3A_27 = tpu.memref_slice %arg6[%dma_start3A, %dma_start3A_26] : memref<200x16xf32, #tpu.memory_space<vmem>> -> memref<200x16xf32, #tpu.memory_space<vmem>>
      %dma_start3A_28 = arith.constant 0 : i32
      %dma_start3A_29 = tpu.memref_slice %arg5[%add3A_13, %dma_start3A_28] : memref<10240x16xf32, #tpu.memory_space<vmem_shared>> -> memref<200x16xf32, #tpu.memory_space<vmem_shared>>
      %dma_start3A_30 = arith.constant 0 : i32
      %dma_start3A_31 = tpu.memref_slice %arg5[%add3A_13, %dma_start3A_30] : memref<10240x16xf32, #tpu.memory_space<vmem_shared>> -> memref<200x16xf32, #tpu.memory_space<vmem_shared>>
      %dma_start3A_32 = arith.constant 0 : i32
      %dma_start3A_33 = arith.constant 0 : i32
      %dma_start3A_34 = tpu.memref_slice %arg6[%dma_start3A_32, %dma_start3A_33] : memref<200x16xf32, #tpu.memory_space<vmem>> -> memref<200x16xf32, #tpu.memory_space<vmem>>
      tpu.enqueue_dma source(%dma_start3A_34 : memref<200x16xf32, #tpu.memory_space<vmem>>) target(%dma_start3A_31 : memref<200x16xf32, #tpu.memory_space<vmem_shared>>) target_semaphore(%run_scoped3A : memref<!tpu.dma_semaphore, #tpu.memory_space<semaphore_mem>>)
      %dma_wait3A = arith.constant 0 : i32
      %dma_wait3A_35 = arith.constant 0 : i32
      %dma_wait3A_36 = tpu.memref_slice %arg6[%dma_wait3A, %dma_wait3A_35] : memref<200x16xf32, #tpu.memory_space<vmem>> -> memref<200x16xf32, #tpu.memory_space<vmem>>
      %dma_wait3A_37 = arith.constant 0 : i32
      %dma_wait3A_38 = tpu.memref_slice %arg5[%add3A_13, %dma_wait3A_37] : memref<10240x16xf32, #tpu.memory_space<vmem_shared>> -> memref<200x16xf32, #tpu.memory_space<vmem_shared>>
      %dma_wait3A_39 = arith.constant 0 : i32
      %dma_wait3A_40 = tpu.memref_slice %arg5[%add3A_13, %dma_wait3A_39] : memref<10240x16xf32, #tpu.memory_space<vmem_shared>> -> memref<200x16xf32, #tpu.memory_space<vmem_shared>>
      %dma_wait3A_41 = arith.constant 0 : i32
      %dma_wait3A_42 = arith.constant 0 : i32
      %dma_wait3A_43 = tpu.memref_slice %arg6[%dma_wait3A_41, %dma_wait3A_42] : memref<200x16xf32, #tpu.memory_space<vmem>> -> memref<200x16xf32, #tpu.memory_space<vmem>>
      tpu.wait_dma2 semaphore(%run_scoped3A : memref<!tpu.dma_semaphore, #tpu.memory_space<semaphore_mem>>) src(%dma_wait3A_43 : memref<200x16xf32, #tpu.memory_space<vmem>>) dst(%dma_wait3A_40 : memref<200x16xf32, #tpu.memory_space<vmem_shared>>)
      tpu.yield
    }) : () -> ()
    %add3A_14 = arith.constant 600 : i32
    %add3A_15 = arith.addi %mul3A_7, %add3A_14 : i32
    "tpu.region"() ({
      %run_scoped3A = tpu.sem_alloc : memref<!tpu.dma_semaphore, #tpu.memory_space<semaphore_mem>>
      %dma_start3A = arith.constant 0 : i32
      %dma_start3A_26 = arith.constant 0 : i32
      %dma_start3A_27 = tpu.memref_slice %arg6[%dma_start3A, %dma_start3A_26] : memref<200x16xf32, #tpu.memory_space<vmem>> -> memref<40x16xf32, #tpu.memory_space<vmem>>
      %dma_start3A_28 = arith.constant 0 : i32
      %dma_start3A_29 = tpu.memref_slice %arg5[%add3A_15, %dma_start3A_28] : memref<10240x16xf32, #tpu.memory_space<vmem_shared>> -> memref<40x16xf32, #tpu.memory_space<vmem_shared>>
      %dma_start3A_30 = arith.constant 0 : i32
      %dma_start3A_31 = tpu.memref_slice %arg5[%add3A_15, %dma_start3A_30] : memref<10240x16xf32, #tpu.memory_space<vmem_shared>> -> memref<40x16xf32, #tpu.memory_space<vmem_shared>>
      %dma_start3A_32 = arith.constant 0 : i32
      %dma_start3A_33 = arith.constant 0 : i32
      %dma_start3A_34 = tpu.memref_slice %arg6[%dma_start3A_32, %dma_start3A_33] : memref<200x16xf32, #tpu.memory_space<vmem>> -> memref<40x16xf32, #tpu.memory_space<vmem>>
      tpu.enqueue_dma source(%dma_start3A_34 : memref<40x16xf32, #tpu.memory_space<vmem>>) target(%dma_start3A_31 : memref<40x16xf32, #tpu.memory_space<vmem_shared>>) target_semaphore(%run_scoped3A : memref<!tpu.dma_semaphore, #tpu.memory_space<semaphore_mem>>)
      %dma_wait3A = arith.constant 0 : i32
      %dma_wait3A_35 = arith.constant 0 : i32
      %dma_wait3A_36 = tpu.memref_slice %arg6[%dma_wait3A, %dma_wait3A_35] : memref<200x16xf32, #tpu.memory_space<vmem>> -> memref<40x16xf32, #tpu.memory_space<vmem>>
      %dma_wait3A_37 = arith.constant 0 : i32
      %dma_wait3A_38 = tpu.memref_slice %arg5[%add3A_15, %dma_wait3A_37] : memref<10240x16xf32, #tpu.memory_space<vmem_shared>> -> memref<40x16xf32, #tpu.memory_space<vmem_shared>>
      %dma_wait3A_39 = arith.constant 0 : i32
      %dma_wait3A_40 = tpu.memref_slice %arg5[%add3A_15, %dma_wait3A_39] : memref<10240x16xf32, #tpu.memory_space<vmem_shared>> -> memref<40x16xf32, #tpu.memory_space<vmem_shared>>
      %dma_wait3A_41 = arith.constant 0 : i32
      %dma_wait3A_42 = arith.constant 0 : i32
      %dma_wait3A_43 = tpu.memref_slice %arg6[%dma_wait3A_41, %dma_wait3A_42] : memref<200x16xf32, #tpu.memory_space<vmem>> -> memref<40x16xf32, #tpu.memory_space<vmem>>
      tpu.wait_dma2 semaphore(%run_scoped3A : memref<!tpu.dma_semaphore, #tpu.memory_space<semaphore_mem>>) src(%dma_wait3A_43 : memref<40x16xf32, #tpu.memory_space<vmem>>) dst(%dma_wait3A_40 : memref<40x16xf32, #tpu.memory_space<vmem_shared>>)
      tpu.yield
    }) : () -> ()
    %barrier3A = arith.constant 0 : index
    tpu.barrier barrier_id(%barrier3A)
    %mul3A_16 = arith.constant 10000 : i32
    %mul3A_17 = arith.muli %add3A, %mul3A_16 : i32
    %scan3A_18 = arith.constant 0 : i32
    %scan3A_19 = arith.constant 50 : i32
    %scan3A_20 = arith.addi %scan3A_18, %scan3A_19 : i32
    %scan3A_21 = arith.constant 1 : i32
    scf.for %scan3A_26 = %scan3A_18 to %scan3A_20 step %scan3A_21  : i32 {
      %mul3A_27 = arith.constant 1 : i32
      %mul3A_28 = arith.muli %scan3A_26, %mul3A_27 : i32
      %add3A_29 = arith.constant 0 : i32
      %add3A_30 = arith.addi %add3A_29, %mul3A_28 : i32
      %mul3A_31 = arith.constant 200 : i32
      %mul3A_32 = arith.muli %add3A_30, %mul3A_31 : i32
      %add3A_33 = arith.addi %mul3A_17, %mul3A_32 : i32
      "tpu.region"() ({
        %run_scoped3A = tpu.sem_alloc : memref<!tpu.dma_semaphore, #tpu.memory_space<semaphore_mem>>
        %dma_start3A_43 = tpu.memref_slice %arg2[%add3A_33] : memref<320000xi32, #tpu.memory_space<hbm>> -> memref<200xi32, #tpu.memory_space<hbm>>
        %dma_start3A_44 = tpu.memref_slice %arg2[%add3A_33] : memref<320000xi32, #tpu.memory_space<hbm>> -> memref<200xi32, #tpu.memory_space<hbm>>
        tpu.enqueue_dma source(%dma_start3A_44 : memref<200xi32, #tpu.memory_space<hbm>>) target(%arg7 : memref<200xi32, #tpu.memory_space<vmem>>) target_semaphore(%run_scoped3A : memref<!tpu.dma_semaphore, #tpu.memory_space<semaphore_mem>>)
        %dma_wait3A_45 = tpu.memref_slice %arg2[%add3A_33] : memref<320000xi32, #tpu.memory_space<hbm>> -> memref<200xi32, #tpu.memory_space<hbm>>
        %dma_wait3A_46 = tpu.memref_slice %arg2[%add3A_33] : memref<320000xi32, #tpu.memory_space<hbm>> -> memref<200xi32, #tpu.memory_space<hbm>>
        tpu.wait_dma2 semaphore(%run_scoped3A : memref<!tpu.dma_semaphore, #tpu.memory_space<semaphore_mem>>) src(%dma_wait3A_46 : memref<200xi32, #tpu.memory_space<hbm>>) dst(%arg7 : memref<200xi32, #tpu.memory_space<vmem>>)
        tpu.yield
      }) : () -> ()
      "tpu.region"() ({
        %run_scoped3A = tpu.sem_alloc : memref<!tpu.dma_semaphore, #tpu.memory_space<semaphore_mem>>
        %dma_start3A_43 = tpu.memref_slice %arg3[%add3A_33] : memref<320000xf32, #tpu.memory_space<hbm>> -> memref<200xf32, #tpu.memory_space<hbm>>
        %dma_start3A_44 = tpu.memref_slice %arg3[%add3A_33] : memref<320000xf32, #tpu.memory_space<hbm>> -> memref<200xf32, #tpu.memory_space<hbm>>
        tpu.enqueue_dma source(%dma_start3A_44 : memref<200xf32, #tpu.memory_space<hbm>>) target(%arg8 : memref<200xf32, #tpu.memory_space<vmem>>) target_semaphore(%run_scoped3A : memref<!tpu.dma_semaphore, #tpu.memory_space<semaphore_mem>>)
        %dma_wait3A_45 = tpu.memref_slice %arg3[%add3A_33] : memref<320000xf32, #tpu.memory_space<hbm>> -> memref<200xf32, #tpu.memory_space<hbm>>
        %dma_wait3A_46 = tpu.memref_slice %arg3[%add3A_33] : memref<320000xf32, #tpu.memory_space<hbm>> -> memref<200xf32, #tpu.memory_space<hbm>>
        tpu.wait_dma2 semaphore(%run_scoped3A : memref<!tpu.dma_semaphore, #tpu.memory_space<semaphore_mem>>) src(%dma_wait3A_46 : memref<200xf32, #tpu.memory_space<hbm>>) dst(%arg8 : memref<200xf32, #tpu.memory_space<vmem>>)
        tpu.yield
      }) : () -> ()
      %scan3A_34 = arith.constant 0 : i32
      %scan3A_35 = arith.constant 200 : i32
      %scan3A_36 = arith.addi %scan3A_34, %scan3A_35 : i32
      %scan3A_37 = arith.constant 1 : i32
      scf.for %scan3A_43 = %scan3A_34 to %scan3A_36 step %scan3A_37  : i32 {
        %mul3A_44 = arith.constant 1 : i32
        %mul3A_45 = arith.muli %scan3A_43, %mul3A_44 : i32
        %add3A_46 = arith.constant 0 : i32
        %add3A_47 = arith.addi %add3A_46, %mul3A_45 : i32
        %broadcast_in_dim3A_48 = vector.broadcast %add3A_47 : i32 to vector<16xi32>
        %gather3A = tpu.vector_load_idx %arg8[%broadcast_in_dim3A_48] : memref<200xf32, #tpu.memory_space<vmem>>[vector<16xi32>], vector<16xf32>,
        %swap3A = arith.index_cast %add3A_47 : i32 to index
        %swap3A_49 = arith.constant 0 : index
        %swap3A_50 = tpu.vector_load %arg6[%swap3A, %swap3A_49] {strides = array<i32>} : memref<200x16xf32, #tpu.memory_space<vmem>>, vector<16xf32>,
        tpu.vector_store %arg6[%swap3A, %swap3A_49], %gather3A {strides = array<i32>} : memref<200x16xf32, #tpu.memory_space<vmem>>, vector<16xf32>,
      }
      %scan3A_38 = arith.constant 200 : i32
      %dma_start3A = arith.constant 0 : i32
      %dma_start3A_39 = arith.constant 0 : i32
      %dma_start3A_40 = tpu.memref_slice %arg5[%dma_start3A, %dma_start3A_39] : memref<10240x16xf32, #tpu.memory_space<vmem_shared>> -> memref<10240x16xf32, #tpu.memory_space<vmem_shared>>
      tpu.enqueue_indirect_dma source(%arg6 : memref<200x16xf32, #tpu.memory_space<vmem>>) target(%dma_start3A_40 : memref<10240x16xf32, #tpu.memory_space<vmem_shared>>) offsets(%arg7 : memref<200xi32, #tpu.memory_space<vmem>>) semaphore(%arg9 : memref<!tpu.dma_semaphore, #tpu.memory_space<semaphore_mem>>) {add = true}
      %dma_wait3A = arith.constant 0 : i32
      %dma_wait3A_41 = arith.constant 0 : i32
      %dma_wait3A_42 = tpu.memref_slice %arg5[%dma_wait3A, %dma_wait3A_41] : memref<10240x16xf32, #tpu.memory_space<vmem_shared>> -> memref<10240x16xf32, #tpu.memory_space<vmem_shared>>
      tpu.wait_indirect_dma semaphore(%arg9 : memref<!tpu.dma_semaphore, #tpu.memory_space<semaphore_mem>>) src(%arg6 : memref<200x16xf32, #tpu.memory_space<vmem>>) dst(%dma_wait3A_42 : memref<10240x16xf32, #tpu.memory_space<vmem_shared>>)
    }
    %scan3A_22 = arith.constant 50 : i32
    %barrier3A_23 = arith.constant 0 : index
    tpu.barrier barrier_id(%barrier3A_23)
    %mul3A_24 = arith.constant 640 : i32
    %mul3A_25 = arith.muli %arg1, %mul3A_24 : i32
    "tpu.region"() ({
      %run_scoped3A = tpu.sem_alloc : memref<!tpu.dma_semaphore, #tpu.memory_space<semaphore_mem>>
      %dma_start3A = arith.constant 0 : i32
      %dma_start3A_26 = arith.constant 0 : i32
      %dma_start3A_27 = tpu.memref_slice %arg4[%arg0, %dma_start3A, %dma_start3A_26] : memref<2x10240x16xf32, #tpu.memory_space<hbm>> -> memref<1x10240x16xf32, #tpu.memory_space<hbm>>
      %dma_start3A_28 = tpu.memref_squeeze %dma_start3A_27 : memref<1x10240x16xf32, #tpu.memory_space<hbm>> -> memref<10240x16xf32, #tpu.memory_space<hbm>>
      %dma_start3A_29 = arith.constant 0 : i32
      %dma_start3A_30 = tpu.memref_slice %dma_start3A_28[%mul3A_25, %dma_start3A_29] : memref<10240x16xf32, #tpu.memory_space<hbm>> -> memref<640x16xf32, #tpu.memory_space<hbm>>
      %dma_start3A_31 = arith.constant 0 : i32
      %dma_start3A_32 = tpu.memref_slice %arg5[%mul3A_25, %dma_start3A_31] : memref<10240x16xf32, #tpu.memory_space<vmem_shared>> -> memref<640x16xf32, #tpu.memory_space<vmem_shared>>
      tpu.enqueue_dma source(%dma_start3A_32 : memref<640x16xf32, #tpu.memory_space<vmem_shared>>) target(%dma_start3A_30 : memref<640x16xf32, #tpu.memory_space<hbm>>) target_semaphore(%run_scoped3A : memref<!tpu.dma_semaphore, #tpu.memory_space<semaphore_mem>>)
      %dma_wait3A = arith.constant 0 : i32
      %dma_wait3A_33 = arith.constant 0 : i32
      %dma_wait3A_34 = tpu.memref_slice %arg4[%arg0, %dma_wait3A, %dma_wait3A_33] : memref<2x10240x16xf32, #tpu.memory_space<hbm>> -> memref<1x10240x16xf32, #tpu.memory_space<hbm>>
      %dma_wait3A_35 = tpu.memref_squeeze %dma_wait3A_34 : memref<1x10240x16xf32, #tpu.memory_space<hbm>> -> memref<10240x16xf32, #tpu.memory_space<hbm>>
      %dma_wait3A_36 = arith.constant 0 : i32
      %dma_wait3A_37 = tpu.memref_slice %dma_wait3A_35[%mul3A_25, %dma_wait3A_36] : memref<10240x16xf32, #tpu.memory_space<hbm>> -> memref<640x16xf32, #tpu.memory_space<hbm>>
      %dma_wait3A_38 = arith.constant 0 : i32
      %dma_wait3A_39 = tpu.memref_slice %arg5[%mul3A_25, %dma_wait3A_38] : memref<10240x16xf32, #tpu.memory_space<vmem_shared>> -> memref<640x16xf32, #tpu.memory_space<vmem_shared>>
      tpu.wait_dma2 semaphore(%run_scoped3A : memref<!tpu.dma_semaphore, #tpu.memory_space<semaphore_mem>>) src(%dma_wait3A_39 : memref<640x16xf32, #tpu.memory_space<vmem_shared>>) dst(%dma_wait3A_37 : memref<640x16xf32, #tpu.memory_space<hbm>>)
      tpu.yield
    }) : () -> ()
    return
  }
}

#map = affine_map<(d0, d1) -> (0, 0)>
#map1 = affine_map<(d0, d1) -> (0)>
#map2 = affine_map<(d0, d1) -> (0, 0, 0)>
module attributes {stable_mosaic.version = 14 : i64} {
  func.func @_agg_body(%arg0: i32, %arg1: i32, %arg2: memref<10240x128xf32, #tpu.memory_space<hbm>>, %arg3: memref<320000xi32, #tpu.memory_space<hbm>>, %arg4: memref<320000xi32, #tpu.memory_space<hbm>>, %arg5: memref<320000xf32, #tpu.memory_space<hbm>>, %arg6: memref<2x10240x128xf32, #tpu.memory_space<hbm>>, %arg7: memref<10240x128xf32, #tpu.memory_space<vmem_shared>>, %arg8: memref<200x128xf32, #tpu.memory_space<vmem>>, %arg9: memref<200xi32, #tpu.memory_space<vmem>>, %arg10: memref<200xi32, #tpu.memory_space<vmem>>, %arg11: memref<200xf32, #tpu.memory_space<vmem>>, %arg12: memref<!tpu.dma_semaphore, #tpu.memory_space<semaphore_mem>>) attributes {dimension_semantics = [#tpu.dimension_semantics<core_parallel>, #tpu.dimension_semantics<subcore_parallel>], iteration_bounds = array<i64: 2, 16>, scalar_prefetch = 0 : i64, scratch_operands = 6 : i64, tpu.core_type = #tpu.core_type<sc_vector_subcore>, window_params = [{transform_indices = #map}, {transform_indices = #map1}, {transform_indices = #map1}, {transform_indices = #map1}, {transform_indices = #map2}]} {
    %mul3A = arith.constant 16 : i32
    %mul3A_0 = arith.muli %arg0, %mul3A : i32
    %add3A = arith.addi %mul3A_0, %arg1 : i32
    %broadcast_in_dim3A = arith.constant 0.000000e+00 : f32
    %broadcast_in_dim3A_1 = vector.broadcast %broadcast_in_dim3A : f32 to vector<16xf32>
    %scan3A = arith.constant 0 : i32
    %scan3A_2 = arith.constant 200 : i32
    %scan3A_3 = arith.addi %scan3A, %scan3A_2 : i32
    %scan3A_4 = arith.constant 1 : i32
    scf.for %scan3A_26 = %scan3A to %scan3A_3 step %scan3A_4  : i32 {
      %mul3A_27 = arith.constant 1 : i32
      %mul3A_28 = arith.muli %scan3A_26, %mul3A_27 : i32
      %add3A_29 = arith.constant 0 : i32
      %add3A_30 = arith.addi %add3A_29, %mul3A_28 : i32
      %swap3A = arith.index_cast %add3A_30 : i32 to index
      %swap3A_31 = arith.constant 0 : index
      %swap3A_32 = tpu.vector_load %arg8[%swap3A, %swap3A_31] {strides = array<i32>} : memref<200x128xf32, #tpu.memory_space<vmem>>, vector<16xf32>,
      tpu.vector_store %arg8[%swap3A, %swap3A_31], %broadcast_in_dim3A_1 {strides = array<i32>} : memref<200x128xf32, #tpu.memory_space<vmem>>, vector<16xf32>,
      %swap3A_33 = arith.index_cast %add3A_30 : i32 to index
      %swap3A_34 = arith.constant 16 : index
      %swap3A_35 = tpu.vector_load %arg8[%swap3A_33, %swap3A_34] {strides = array<i32>} : memref<200x128xf32, #tpu.memory_space<vmem>>, vector<16xf32>,
      tpu.vector_store %arg8[%swap3A_33, %swap3A_34], %broadcast_in_dim3A_1 {strides = array<i32>} : memref<200x128xf32, #tpu.memory_space<vmem>>, vector<16xf32>,
      %swap3A_36 = arith.index_cast %add3A_30 : i32 to index
      %swap3A_37 = arith.constant 32 : index
      %swap3A_38 = tpu.vector_load %arg8[%swap3A_36, %swap3A_37] {strides = array<i32>} : memref<200x128xf32, #tpu.memory_space<vmem>>, vector<16xf32>,
      tpu.vector_store %arg8[%swap3A_36, %swap3A_37], %broadcast_in_dim3A_1 {strides = array<i32>} : memref<200x128xf32, #tpu.memory_space<vmem>>, vector<16xf32>,
      %swap3A_39 = arith.index_cast %add3A_30 : i32 to index
      %swap3A_40 = arith.constant 48 : index
      %swap3A_41 = tpu.vector_load %arg8[%swap3A_39, %swap3A_40] {strides = array<i32>} : memref<200x128xf32, #tpu.memory_space<vmem>>, vector<16xf32>,
      tpu.vector_store %arg8[%swap3A_39, %swap3A_40], %broadcast_in_dim3A_1 {strides = array<i32>} : memref<200x128xf32, #tpu.memory_space<vmem>>, vector<16xf32>,
      %swap3A_42 = arith.index_cast %add3A_30 : i32 to index
      %swap3A_43 = arith.constant 64 : index
      %swap3A_44 = tpu.vector_load %arg8[%swap3A_42, %swap3A_43] {strides = array<i32>} : memref<200x128xf32, #tpu.memory_space<vmem>>, vector<16xf32>,
      tpu.vector_store %arg8[%swap3A_42, %swap3A_43], %broadcast_in_dim3A_1 {strides = array<i32>} : memref<200x128xf32, #tpu.memory_space<vmem>>, vector<16xf32>,
      %swap3A_45 = arith.index_cast %add3A_30 : i32 to index
      %swap3A_46 = arith.constant 80 : index
      %swap3A_47 = tpu.vector_load %arg8[%swap3A_45, %swap3A_46] {strides = array<i32>} : memref<200x128xf32, #tpu.memory_space<vmem>>, vector<16xf32>,
      tpu.vector_store %arg8[%swap3A_45, %swap3A_46], %broadcast_in_dim3A_1 {strides = array<i32>} : memref<200x128xf32, #tpu.memory_space<vmem>>, vector<16xf32>,
      %swap3A_48 = arith.index_cast %add3A_30 : i32 to index
      %swap3A_49 = arith.constant 96 : index
      %swap3A_50 = tpu.vector_load %arg8[%swap3A_48, %swap3A_49] {strides = array<i32>} : memref<200x128xf32, #tpu.memory_space<vmem>>, vector<16xf32>,
      tpu.vector_store %arg8[%swap3A_48, %swap3A_49], %broadcast_in_dim3A_1 {strides = array<i32>} : memref<200x128xf32, #tpu.memory_space<vmem>>, vector<16xf32>,
      %swap3A_51 = arith.index_cast %add3A_30 : i32 to index
      %swap3A_52 = arith.constant 112 : index
      %swap3A_53 = tpu.vector_load %arg8[%swap3A_51, %swap3A_52] {strides = array<i32>} : memref<200x128xf32, #tpu.memory_space<vmem>>, vector<16xf32>,
      tpu.vector_store %arg8[%swap3A_51, %swap3A_52], %broadcast_in_dim3A_1 {strides = array<i32>} : memref<200x128xf32, #tpu.memory_space<vmem>>, vector<16xf32>,
    }
    %scan3A_5 = arith.constant 200 : i32
    %mul3A_6 = arith.constant 640 : i32
    %mul3A_7 = arith.muli %arg1, %mul3A_6 : i32
    %add3A_8 = arith.constant 0 : i32
    %add3A_9 = arith.addi %mul3A_7, %add3A_8 : i32
    "tpu.region"() ({
      %run_scoped3A = tpu.sem_alloc : memref<!tpu.dma_semaphore, #tpu.memory_space<semaphore_mem>>
      %dma_start3A = arith.constant 0 : i32
      %dma_start3A_26 = arith.constant 0 : i32
      %dma_start3A_27 = tpu.memref_slice %arg8[%dma_start3A, %dma_start3A_26] : memref<200x128xf32, #tpu.memory_space<vmem>> -> memref<200x128xf32, #tpu.memory_space<vmem>>
      %dma_start3A_28 = arith.constant 0 : i32
      %dma_start3A_29 = tpu.memref_slice %arg7[%add3A_9, %dma_start3A_28] : memref<10240x128xf32, #tpu.memory_space<vmem_shared>> -> memref<200x128xf32, #tpu.memory_space<vmem_shared>>
      %dma_start3A_30 = arith.constant 0 : i32
      %dma_start3A_31 = tpu.memref_slice %arg7[%add3A_9, %dma_start3A_30] : memref<10240x128xf32, #tpu.memory_space<vmem_shared>> -> memref<200x128xf32, #tpu.memory_space<vmem_shared>>
      %dma_start3A_32 = arith.constant 0 : i32
      %dma_start3A_33 = arith.constant 0 : i32
      %dma_start3A_34 = tpu.memref_slice %arg8[%dma_start3A_32, %dma_start3A_33] : memref<200x128xf32, #tpu.memory_space<vmem>> -> memref<200x128xf32, #tpu.memory_space<vmem>>
      tpu.enqueue_dma source(%dma_start3A_34 : memref<200x128xf32, #tpu.memory_space<vmem>>) target(%dma_start3A_31 : memref<200x128xf32, #tpu.memory_space<vmem_shared>>) target_semaphore(%run_scoped3A : memref<!tpu.dma_semaphore, #tpu.memory_space<semaphore_mem>>)
      %dma_wait3A = arith.constant 0 : i32
      %dma_wait3A_35 = arith.constant 0 : i32
      %dma_wait3A_36 = tpu.memref_slice %arg8[%dma_wait3A, %dma_wait3A_35] : memref<200x128xf32, #tpu.memory_space<vmem>> -> memref<200x128xf32, #tpu.memory_space<vmem>>
      %dma_wait3A_37 = arith.constant 0 : i32
      %dma_wait3A_38 = tpu.memref_slice %arg7[%add3A_9, %dma_wait3A_37] : memref<10240x128xf32, #tpu.memory_space<vmem_shared>> -> memref<200x128xf32, #tpu.memory_space<vmem_shared>>
      %dma_wait3A_39 = arith.constant 0 : i32
      %dma_wait3A_40 = tpu.memref_slice %arg7[%add3A_9, %dma_wait3A_39] : memref<10240x128xf32, #tpu.memory_space<vmem_shared>> -> memref<200x128xf32, #tpu.memory_space<vmem_shared>>
      %dma_wait3A_41 = arith.constant 0 : i32
      %dma_wait3A_42 = arith.constant 0 : i32
      %dma_wait3A_43 = tpu.memref_slice %arg8[%dma_wait3A_41, %dma_wait3A_42] : memref<200x128xf32, #tpu.memory_space<vmem>> -> memref<200x128xf32, #tpu.memory_space<vmem>>
      tpu.wait_dma2 semaphore(%run_scoped3A : memref<!tpu.dma_semaphore, #tpu.memory_space<semaphore_mem>>) src(%dma_wait3A_43 : memref<200x128xf32, #tpu.memory_space<vmem>>) dst(%dma_wait3A_40 : memref<200x128xf32, #tpu.memory_space<vmem_shared>>)
      tpu.yield
    }) : () -> ()
    %add3A_10 = arith.constant 200 : i32
    %add3A_11 = arith.addi %mul3A_7, %add3A_10 : i32
    "tpu.region"() ({
      %run_scoped3A = tpu.sem_alloc : memref<!tpu.dma_semaphore, #tpu.memory_space<semaphore_mem>>
      %dma_start3A = arith.constant 0 : i32
      %dma_start3A_26 = arith.constant 0 : i32
      %dma_start3A_27 = tpu.memref_slice %arg8[%dma_start3A, %dma_start3A_26] : memref<200x128xf32, #tpu.memory_space<vmem>> -> memref<200x128xf32, #tpu.memory_space<vmem>>
      %dma_start3A_28 = arith.constant 0 : i32
      %dma_start3A_29 = tpu.memref_slice %arg7[%add3A_11, %dma_start3A_28] : memref<10240x128xf32, #tpu.memory_space<vmem_shared>> -> memref<200x128xf32, #tpu.memory_space<vmem_shared>>
      %dma_start3A_30 = arith.constant 0 : i32
      %dma_start3A_31 = tpu.memref_slice %arg7[%add3A_11, %dma_start3A_30] : memref<10240x128xf32, #tpu.memory_space<vmem_shared>> -> memref<200x128xf32, #tpu.memory_space<vmem_shared>>
      %dma_start3A_32 = arith.constant 0 : i32
      %dma_start3A_33 = arith.constant 0 : i32
      %dma_start3A_34 = tpu.memref_slice %arg8[%dma_start3A_32, %dma_start3A_33] : memref<200x128xf32, #tpu.memory_space<vmem>> -> memref<200x128xf32, #tpu.memory_space<vmem>>
      tpu.enqueue_dma source(%dma_start3A_34 : memref<200x128xf32, #tpu.memory_space<vmem>>) target(%dma_start3A_31 : memref<200x128xf32, #tpu.memory_space<vmem_shared>>) target_semaphore(%run_scoped3A : memref<!tpu.dma_semaphore, #tpu.memory_space<semaphore_mem>>)
      %dma_wait3A = arith.constant 0 : i32
      %dma_wait3A_35 = arith.constant 0 : i32
      %dma_wait3A_36 = tpu.memref_slice %arg8[%dma_wait3A, %dma_wait3A_35] : memref<200x128xf32, #tpu.memory_space<vmem>> -> memref<200x128xf32, #tpu.memory_space<vmem>>
      %dma_wait3A_37 = arith.constant 0 : i32
      %dma_wait3A_38 = tpu.memref_slice %arg7[%add3A_11, %dma_wait3A_37] : memref<10240x128xf32, #tpu.memory_space<vmem_shared>> -> memref<200x128xf32, #tpu.memory_space<vmem_shared>>
      %dma_wait3A_39 = arith.constant 0 : i32
      %dma_wait3A_40 = tpu.memref_slice %arg7[%add3A_11, %dma_wait3A_39] : memref<10240x128xf32, #tpu.memory_space<vmem_shared>> -> memref<200x128xf32, #tpu.memory_space<vmem_shared>>
      %dma_wait3A_41 = arith.constant 0 : i32
      %dma_wait3A_42 = arith.constant 0 : i32
      %dma_wait3A_43 = tpu.memref_slice %arg8[%dma_wait3A_41, %dma_wait3A_42] : memref<200x128xf32, #tpu.memory_space<vmem>> -> memref<200x128xf32, #tpu.memory_space<vmem>>
      tpu.wait_dma2 semaphore(%run_scoped3A : memref<!tpu.dma_semaphore, #tpu.memory_space<semaphore_mem>>) src(%dma_wait3A_43 : memref<200x128xf32, #tpu.memory_space<vmem>>) dst(%dma_wait3A_40 : memref<200x128xf32, #tpu.memory_space<vmem_shared>>)
      tpu.yield
    }) : () -> ()
    %add3A_12 = arith.constant 400 : i32
    %add3A_13 = arith.addi %mul3A_7, %add3A_12 : i32
    "tpu.region"() ({
      %run_scoped3A = tpu.sem_alloc : memref<!tpu.dma_semaphore, #tpu.memory_space<semaphore_mem>>
      %dma_start3A = arith.constant 0 : i32
      %dma_start3A_26 = arith.constant 0 : i32
      %dma_start3A_27 = tpu.memref_slice %arg8[%dma_start3A, %dma_start3A_26] : memref<200x128xf32, #tpu.memory_space<vmem>> -> memref<200x128xf32, #tpu.memory_space<vmem>>
      %dma_start3A_28 = arith.constant 0 : i32
      %dma_start3A_29 = tpu.memref_slice %arg7[%add3A_13, %dma_start3A_28] : memref<10240x128xf32, #tpu.memory_space<vmem_shared>> -> memref<200x128xf32, #tpu.memory_space<vmem_shared>>
      %dma_start3A_30 = arith.constant 0 : i32
      %dma_start3A_31 = tpu.memref_slice %arg7[%add3A_13, %dma_start3A_30] : memref<10240x128xf32, #tpu.memory_space<vmem_shared>> -> memref<200x128xf32, #tpu.memory_space<vmem_shared>>
      %dma_start3A_32 = arith.constant 0 : i32
      %dma_start3A_33 = arith.constant 0 : i32
      %dma_start3A_34 = tpu.memref_slice %arg8[%dma_start3A_32, %dma_start3A_33] : memref<200x128xf32, #tpu.memory_space<vmem>> -> memref<200x128xf32, #tpu.memory_space<vmem>>
      tpu.enqueue_dma source(%dma_start3A_34 : memref<200x128xf32, #tpu.memory_space<vmem>>) target(%dma_start3A_31 : memref<200x128xf32, #tpu.memory_space<vmem_shared>>) target_semaphore(%run_scoped3A : memref<!tpu.dma_semaphore, #tpu.memory_space<semaphore_mem>>)
      %dma_wait3A = arith.constant 0 : i32
      %dma_wait3A_35 = arith.constant 0 : i32
      %dma_wait3A_36 = tpu.memref_slice %arg8[%dma_wait3A, %dma_wait3A_35] : memref<200x128xf32, #tpu.memory_space<vmem>> -> memref<200x128xf32, #tpu.memory_space<vmem>>
      %dma_wait3A_37 = arith.constant 0 : i32
      %dma_wait3A_38 = tpu.memref_slice %arg7[%add3A_13, %dma_wait3A_37] : memref<10240x128xf32, #tpu.memory_space<vmem_shared>> -> memref<200x128xf32, #tpu.memory_space<vmem_shared>>
      %dma_wait3A_39 = arith.constant 0 : i32
      %dma_wait3A_40 = tpu.memref_slice %arg7[%add3A_13, %dma_wait3A_39] : memref<10240x128xf32, #tpu.memory_space<vmem_shared>> -> memref<200x128xf32, #tpu.memory_space<vmem_shared>>
      %dma_wait3A_41 = arith.constant 0 : i32
      %dma_wait3A_42 = arith.constant 0 : i32
      %dma_wait3A_43 = tpu.memref_slice %arg8[%dma_wait3A_41, %dma_wait3A_42] : memref<200x128xf32, #tpu.memory_space<vmem>> -> memref<200x128xf32, #tpu.memory_space<vmem>>
      tpu.wait_dma2 semaphore(%run_scoped3A : memref<!tpu.dma_semaphore, #tpu.memory_space<semaphore_mem>>) src(%dma_wait3A_43 : memref<200x128xf32, #tpu.memory_space<vmem>>) dst(%dma_wait3A_40 : memref<200x128xf32, #tpu.memory_space<vmem_shared>>)
      tpu.yield
    }) : () -> ()
    %add3A_14 = arith.constant 600 : i32
    %add3A_15 = arith.addi %mul3A_7, %add3A_14 : i32
    "tpu.region"() ({
      %run_scoped3A = tpu.sem_alloc : memref<!tpu.dma_semaphore, #tpu.memory_space<semaphore_mem>>
      %dma_start3A = arith.constant 0 : i32
      %dma_start3A_26 = arith.constant 0 : i32
      %dma_start3A_27 = tpu.memref_slice %arg8[%dma_start3A, %dma_start3A_26] : memref<200x128xf32, #tpu.memory_space<vmem>> -> memref<40x128xf32, #tpu.memory_space<vmem>>
      %dma_start3A_28 = arith.constant 0 : i32
      %dma_start3A_29 = tpu.memref_slice %arg7[%add3A_15, %dma_start3A_28] : memref<10240x128xf32, #tpu.memory_space<vmem_shared>> -> memref<40x128xf32, #tpu.memory_space<vmem_shared>>
      %dma_start3A_30 = arith.constant 0 : i32
      %dma_start3A_31 = tpu.memref_slice %arg7[%add3A_15, %dma_start3A_30] : memref<10240x128xf32, #tpu.memory_space<vmem_shared>> -> memref<40x128xf32, #tpu.memory_space<vmem_shared>>
      %dma_start3A_32 = arith.constant 0 : i32
      %dma_start3A_33 = arith.constant 0 : i32
      %dma_start3A_34 = tpu.memref_slice %arg8[%dma_start3A_32, %dma_start3A_33] : memref<200x128xf32, #tpu.memory_space<vmem>> -> memref<40x128xf32, #tpu.memory_space<vmem>>
      tpu.enqueue_dma source(%dma_start3A_34 : memref<40x128xf32, #tpu.memory_space<vmem>>) target(%dma_start3A_31 : memref<40x128xf32, #tpu.memory_space<vmem_shared>>) target_semaphore(%run_scoped3A : memref<!tpu.dma_semaphore, #tpu.memory_space<semaphore_mem>>)
      %dma_wait3A = arith.constant 0 : i32
      %dma_wait3A_35 = arith.constant 0 : i32
      %dma_wait3A_36 = tpu.memref_slice %arg8[%dma_wait3A, %dma_wait3A_35] : memref<200x128xf32, #tpu.memory_space<vmem>> -> memref<40x128xf32, #tpu.memory_space<vmem>>
      %dma_wait3A_37 = arith.constant 0 : i32
      %dma_wait3A_38 = tpu.memref_slice %arg7[%add3A_15, %dma_wait3A_37] : memref<10240x128xf32, #tpu.memory_space<vmem_shared>> -> memref<40x128xf32, #tpu.memory_space<vmem_shared>>
      %dma_wait3A_39 = arith.constant 0 : i32
      %dma_wait3A_40 = tpu.memref_slice %arg7[%add3A_15, %dma_wait3A_39] : memref<10240x128xf32, #tpu.memory_space<vmem_shared>> -> memref<40x128xf32, #tpu.memory_space<vmem_shared>>
      %dma_wait3A_41 = arith.constant 0 : i32
      %dma_wait3A_42 = arith.constant 0 : i32
      %dma_wait3A_43 = tpu.memref_slice %arg8[%dma_wait3A_41, %dma_wait3A_42] : memref<200x128xf32, #tpu.memory_space<vmem>> -> memref<40x128xf32, #tpu.memory_space<vmem>>
      tpu.wait_dma2 semaphore(%run_scoped3A : memref<!tpu.dma_semaphore, #tpu.memory_space<semaphore_mem>>) src(%dma_wait3A_43 : memref<40x128xf32, #tpu.memory_space<vmem>>) dst(%dma_wait3A_40 : memref<40x128xf32, #tpu.memory_space<vmem_shared>>)
      tpu.yield
    }) : () -> ()
    %barrier3A = arith.constant 0 : index
    tpu.barrier barrier_id(%barrier3A)
    %mul3A_16 = arith.constant 10000 : i32
    %mul3A_17 = arith.muli %add3A, %mul3A_16 : i32
    %scan3A_18 = arith.constant 0 : i32
    %scan3A_19 = arith.constant 50 : i32
    %scan3A_20 = arith.addi %scan3A_18, %scan3A_19 : i32
    %scan3A_21 = arith.constant 1 : i32
    scf.for %scan3A_26 = %scan3A_18 to %scan3A_20 step %scan3A_21  : i32 {
      %mul3A_27 = arith.constant 1 : i32
      %mul3A_28 = arith.muli %scan3A_26, %mul3A_27 : i32
      %add3A_29 = arith.constant 0 : i32
      %add3A_30 = arith.addi %add3A_29, %mul3A_28 : i32
      %mul3A_31 = arith.constant 200 : i32
      %mul3A_32 = arith.muli %add3A_30, %mul3A_31 : i32
      %add3A_33 = arith.addi %mul3A_17, %mul3A_32 : i32
      "tpu.region"() ({
        %run_scoped3A = tpu.sem_alloc : memref<!tpu.dma_semaphore, #tpu.memory_space<semaphore_mem>>
        %dma_start3A_49 = tpu.memref_slice %arg3[%add3A_33] : memref<320000xi32, #tpu.memory_space<hbm>> -> memref<200xi32, #tpu.memory_space<hbm>>
        %dma_start3A_50 = tpu.memref_slice %arg3[%add3A_33] : memref<320000xi32, #tpu.memory_space<hbm>> -> memref<200xi32, #tpu.memory_space<hbm>>
        tpu.enqueue_dma source(%dma_start3A_50 : memref<200xi32, #tpu.memory_space<hbm>>) target(%arg9 : memref<200xi32, #tpu.memory_space<vmem>>) target_semaphore(%run_scoped3A : memref<!tpu.dma_semaphore, #tpu.memory_space<semaphore_mem>>)
        %dma_wait3A_51 = tpu.memref_slice %arg3[%add3A_33] : memref<320000xi32, #tpu.memory_space<hbm>> -> memref<200xi32, #tpu.memory_space<hbm>>
        %dma_wait3A_52 = tpu.memref_slice %arg3[%add3A_33] : memref<320000xi32, #tpu.memory_space<hbm>> -> memref<200xi32, #tpu.memory_space<hbm>>
        tpu.wait_dma2 semaphore(%run_scoped3A : memref<!tpu.dma_semaphore, #tpu.memory_space<semaphore_mem>>) src(%dma_wait3A_52 : memref<200xi32, #tpu.memory_space<hbm>>) dst(%arg9 : memref<200xi32, #tpu.memory_space<vmem>>)
        tpu.yield
      }) : () -> ()
      "tpu.region"() ({
        %run_scoped3A = tpu.sem_alloc : memref<!tpu.dma_semaphore, #tpu.memory_space<semaphore_mem>>
        %dma_start3A_49 = tpu.memref_slice %arg4[%add3A_33] : memref<320000xi32, #tpu.memory_space<hbm>> -> memref<200xi32, #tpu.memory_space<hbm>>
        %dma_start3A_50 = tpu.memref_slice %arg4[%add3A_33] : memref<320000xi32, #tpu.memory_space<hbm>> -> memref<200xi32, #tpu.memory_space<hbm>>
        tpu.enqueue_dma source(%dma_start3A_50 : memref<200xi32, #tpu.memory_space<hbm>>) target(%arg10 : memref<200xi32, #tpu.memory_space<vmem>>) target_semaphore(%run_scoped3A : memref<!tpu.dma_semaphore, #tpu.memory_space<semaphore_mem>>)
        %dma_wait3A_51 = tpu.memref_slice %arg4[%add3A_33] : memref<320000xi32, #tpu.memory_space<hbm>> -> memref<200xi32, #tpu.memory_space<hbm>>
        %dma_wait3A_52 = tpu.memref_slice %arg4[%add3A_33] : memref<320000xi32, #tpu.memory_space<hbm>> -> memref<200xi32, #tpu.memory_space<hbm>>
        tpu.wait_dma2 semaphore(%run_scoped3A : memref<!tpu.dma_semaphore, #tpu.memory_space<semaphore_mem>>) src(%dma_wait3A_52 : memref<200xi32, #tpu.memory_space<hbm>>) dst(%arg10 : memref<200xi32, #tpu.memory_space<vmem>>)
        tpu.yield
      }) : () -> ()
      "tpu.region"() ({
        %run_scoped3A = tpu.sem_alloc : memref<!tpu.dma_semaphore, #tpu.memory_space<semaphore_mem>>
        %dma_start3A_49 = tpu.memref_slice %arg5[%add3A_33] : memref<320000xf32, #tpu.memory_space<hbm>> -> memref<200xf32, #tpu.memory_space<hbm>>
        %dma_start3A_50 = tpu.memref_slice %arg5[%add3A_33] : memref<320000xf32, #tpu.memory_space<hbm>> -> memref<200xf32, #tpu.memory_space<hbm>>
        tpu.enqueue_dma source(%dma_start3A_50 : memref<200xf32, #tpu.memory_space<hbm>>) target(%arg11 : memref<200xf32, #tpu.memory_space<vmem>>) target_semaphore(%run_scoped3A : memref<!tpu.dma_semaphore, #tpu.memory_space<semaphore_mem>>)
        %dma_wait3A_51 = tpu.memref_slice %arg5[%add3A_33] : memref<320000xf32, #tpu.memory_space<hbm>> -> memref<200xf32, #tpu.memory_space<hbm>>
        %dma_wait3A_52 = tpu.memref_slice %arg5[%add3A_33] : memref<320000xf32, #tpu.memory_space<hbm>> -> memref<200xf32, #tpu.memory_space<hbm>>
        tpu.wait_dma2 semaphore(%run_scoped3A : memref<!tpu.dma_semaphore, #tpu.memory_space<semaphore_mem>>) src(%dma_wait3A_52 : memref<200xf32, #tpu.memory_space<hbm>>) dst(%arg11 : memref<200xf32, #tpu.memory_space<vmem>>)
        tpu.yield
      }) : () -> ()
      %dma_start3A = arith.constant 0 : i32
      %dma_start3A_34 = arith.constant 0 : i32
      %dma_start3A_35 = tpu.memref_slice %arg2[%dma_start3A, %dma_start3A_34] : memref<10240x128xf32, #tpu.memory_space<hbm>> -> memref<10240x128xf32, #tpu.memory_space<hbm>>
      tpu.enqueue_indirect_dma source(%dma_start3A_35 : memref<10240x128xf32, #tpu.memory_space<hbm>>) target(%arg8 : memref<200x128xf32, #tpu.memory_space<vmem>>) offsets(%arg9 : memref<200xi32, #tpu.memory_space<vmem>>) semaphore(%arg12 : memref<!tpu.dma_semaphore, #tpu.memory_space<semaphore_mem>>)
      %dma_wait3A = arith.constant 0 : i32
      %dma_wait3A_36 = arith.constant 0 : i32
      %dma_wait3A_37 = tpu.memref_slice %arg2[%dma_wait3A, %dma_wait3A_36] : memref<10240x128xf32, #tpu.memory_space<hbm>> -> memref<10240x128xf32, #tpu.memory_space<hbm>>
      tpu.wait_indirect_dma semaphore(%arg12 : memref<!tpu.dma_semaphore, #tpu.memory_space<semaphore_mem>>) src(%dma_wait3A_37 : memref<10240x128xf32, #tpu.memory_space<hbm>>) dst(%arg8 : memref<200x128xf32, #tpu.memory_space<vmem>>)
      %scan3A_38 = arith.constant 0 : i32
      %scan3A_39 = arith.constant 200 : i32
      %scan3A_40 = arith.addi %scan3A_38, %scan3A_39 : i32
      %scan3A_41 = arith.constant 1 : i32
      scf.for %scan3A_49 = %scan3A_38 to %scan3A_40 step %scan3A_41  : i32 {
        %mul3A_50 = arith.constant 1 : i32
        %mul3A_51 = arith.muli %scan3A_49, %mul3A_50 : i32
        %add3A_52 = arith.constant 0 : i32
        %add3A_53 = arith.addi %add3A_52, %mul3A_51 : i32
        %broadcast_in_dim3A_54 = vector.broadcast %add3A_53 : i32 to vector<16xi32>
        %gather3A = tpu.vector_load_idx %arg11[%broadcast_in_dim3A_54] : memref<200xf32, #tpu.memory_space<vmem>>[vector<16xi32>], vector<16xf32>,
        %get3A = arith.index_cast %add3A_53 : i32 to index
        %get3A_55 = arith.constant 0 : index
        %get3A_56 = tpu.vector_load %arg8[%get3A, %get3A_55] {strides = array<i32>} : memref<200x128xf32, #tpu.memory_space<vmem>>, vector<16xf32>,
        %mul3A_57 = arith.mulf %get3A_56, %gather3A : vector<16xf32>
        %swap3A = arith.index_cast %add3A_53 : i32 to index
        %swap3A_58 = arith.constant 0 : index
        %swap3A_59 = tpu.vector_load %arg8[%swap3A, %swap3A_58] {strides = array<i32>} : memref<200x128xf32, #tpu.memory_space<vmem>>, vector<16xf32>,
        tpu.vector_store %arg8[%swap3A, %swap3A_58], %mul3A_57 {strides = array<i32>} : memref<200x128xf32, #tpu.memory_space<vmem>>, vector<16xf32>,
        %get3A_60 = arith.index_cast %add3A_53 : i32 to index
        %get3A_61 = arith.constant 16 : index
        %get3A_62 = tpu.vector_load %arg8[%get3A_60, %get3A_61] {strides = array<i32>} : memref<200x128xf32, #tpu.memory_space<vmem>>, vector<16xf32>,
        %mul3A_63 = arith.mulf %get3A_62, %gather3A : vector<16xf32>
        %swap3A_64 = arith.index_cast %add3A_53 : i32 to index
        %swap3A_65 = arith.constant 16 : index
        %swap3A_66 = tpu.vector_load %arg8[%swap3A_64, %swap3A_65] {strides = array<i32>} : memref<200x128xf32, #tpu.memory_space<vmem>>, vector<16xf32>,
        tpu.vector_store %arg8[%swap3A_64, %swap3A_65], %mul3A_63 {strides = array<i32>} : memref<200x128xf32, #tpu.memory_space<vmem>>, vector<16xf32>,
        %get3A_67 = arith.index_cast %add3A_53 : i32 to index
        %get3A_68 = arith.constant 32 : index
        %get3A_69 = tpu.vector_load %arg8[%get3A_67, %get3A_68] {strides = array<i32>} : memref<200x128xf32, #tpu.memory_space<vmem>>, vector<16xf32>,
        %mul3A_70 = arith.mulf %get3A_69, %gather3A : vector<16xf32>
        %swap3A_71 = arith.index_cast %add3A_53 : i32 to index
        %swap3A_72 = arith.constant 32 : index
        %swap3A_73 = tpu.vector_load %arg8[%swap3A_71, %swap3A_72] {strides = array<i32>} : memref<200x128xf32, #tpu.memory_space<vmem>>, vector<16xf32>,
        tpu.vector_store %arg8[%swap3A_71, %swap3A_72], %mul3A_70 {strides = array<i32>} : memref<200x128xf32, #tpu.memory_space<vmem>>, vector<16xf32>,
        %get3A_74 = arith.index_cast %add3A_53 : i32 to index
        %get3A_75 = arith.constant 48 : index
        %get3A_76 = tpu.vector_load %arg8[%get3A_74, %get3A_75] {strides = array<i32>} : memref<200x128xf32, #tpu.memory_space<vmem>>, vector<16xf32>,
        %mul3A_77 = arith.mulf %get3A_76, %gather3A : vector<16xf32>
        %swap3A_78 = arith.index_cast %add3A_53 : i32 to index
        %swap3A_79 = arith.constant 48 : index
        %swap3A_80 = tpu.vector_load %arg8[%swap3A_78, %swap3A_79] {strides = array<i32>} : memref<200x128xf32, #tpu.memory_space<vmem>>, vector<16xf32>,
        tpu.vector_store %arg8[%swap3A_78, %swap3A_79], %mul3A_77 {strides = array<i32>} : memref<200x128xf32, #tpu.memory_space<vmem>>, vector<16xf32>,
        %get3A_81 = arith.index_cast %add3A_53 : i32 to index
        %get3A_82 = arith.constant 64 : index
        %get3A_83 = tpu.vector_load %arg8[%get3A_81, %get3A_82] {strides = array<i32>} : memref<200x128xf32, #tpu.memory_space<vmem>>, vector<16xf32>,
        %mul3A_84 = arith.mulf %get3A_83, %gather3A : vector<16xf32>
        %swap3A_85 = arith.index_cast %add3A_53 : i32 to index
        %swap3A_86 = arith.constant 64 : index
        %swap3A_87 = tpu.vector_load %arg8[%swap3A_85, %swap3A_86] {strides = array<i32>} : memref<200x128xf32, #tpu.memory_space<vmem>>, vector<16xf32>,
        tpu.vector_store %arg8[%swap3A_85, %swap3A_86], %mul3A_84 {strides = array<i32>} : memref<200x128xf32, #tpu.memory_space<vmem>>, vector<16xf32>,
        %get3A_88 = arith.index_cast %add3A_53 : i32 to index
        %get3A_89 = arith.constant 80 : index
        %get3A_90 = tpu.vector_load %arg8[%get3A_88, %get3A_89] {strides = array<i32>} : memref<200x128xf32, #tpu.memory_space<vmem>>, vector<16xf32>,
        %mul3A_91 = arith.mulf %get3A_90, %gather3A : vector<16xf32>
        %swap3A_92 = arith.index_cast %add3A_53 : i32 to index
        %swap3A_93 = arith.constant 80 : index
        %swap3A_94 = tpu.vector_load %arg8[%swap3A_92, %swap3A_93] {strides = array<i32>} : memref<200x128xf32, #tpu.memory_space<vmem>>, vector<16xf32>,
        tpu.vector_store %arg8[%swap3A_92, %swap3A_93], %mul3A_91 {strides = array<i32>} : memref<200x128xf32, #tpu.memory_space<vmem>>, vector<16xf32>,
        %get3A_95 = arith.index_cast %add3A_53 : i32 to index
        %get3A_96 = arith.constant 96 : index
        %get3A_97 = tpu.vector_load %arg8[%get3A_95, %get3A_96] {strides = array<i32>} : memref<200x128xf32, #tpu.memory_space<vmem>>, vector<16xf32>,
        %mul3A_98 = arith.mulf %get3A_97, %gather3A : vector<16xf32>
        %swap3A_99 = arith.index_cast %add3A_53 : i32 to index
        %swap3A_100 = arith.constant 96 : index
        %swap3A_101 = tpu.vector_load %arg8[%swap3A_99, %swap3A_100] {strides = array<i32>} : memref<200x128xf32, #tpu.memory_space<vmem>>, vector<16xf32>,
        tpu.vector_store %arg8[%swap3A_99, %swap3A_100], %mul3A_98 {strides = array<i32>} : memref<200x128xf32, #tpu.memory_space<vmem>>, vector<16xf32>,
        %get3A_102 = arith.index_cast %add3A_53 : i32 to index
        %get3A_103 = arith.constant 112 : index
        %get3A_104 = tpu.vector_load %arg8[%get3A_102, %get3A_103] {strides = array<i32>} : memref<200x128xf32, #tpu.memory_space<vmem>>, vector<16xf32>,
        %mul3A_105 = arith.mulf %get3A_104, %gather3A : vector<16xf32>
        %swap3A_106 = arith.index_cast %add3A_53 : i32 to index
        %swap3A_107 = arith.constant 112 : index
        %swap3A_108 = tpu.vector_load %arg8[%swap3A_106, %swap3A_107] {strides = array<i32>} : memref<200x128xf32, #tpu.memory_space<vmem>>, vector<16xf32>,
        tpu.vector_store %arg8[%swap3A_106, %swap3A_107], %mul3A_105 {strides = array<i32>} : memref<200x128xf32, #tpu.memory_space<vmem>>, vector<16xf32>,
      }
      %scan3A_42 = arith.constant 200 : i32
      %dma_start3A_43 = arith.constant 0 : i32
      %dma_start3A_44 = arith.constant 0 : i32
      %dma_start3A_45 = tpu.memref_slice %arg7[%dma_start3A_43, %dma_start3A_44] : memref<10240x128xf32, #tpu.memory_space<vmem_shared>> -> memref<10240x128xf32, #tpu.memory_space<vmem_shared>>
      tpu.enqueue_indirect_dma source(%arg8 : memref<200x128xf32, #tpu.memory_space<vmem>>) target(%dma_start3A_45 : memref<10240x128xf32, #tpu.memory_space<vmem_shared>>) offsets(%arg10 : memref<200xi32, #tpu.memory_space<vmem>>) semaphore(%arg12 : memref<!tpu.dma_semaphore, #tpu.memory_space<semaphore_mem>>) {add = true}
      %dma_wait3A_46 = arith.constant 0 : i32
      %dma_wait3A_47 = arith.constant 0 : i32
      %dma_wait3A_48 = tpu.memref_slice %arg7[%dma_wait3A_46, %dma_wait3A_47] : memref<10240x128xf32, #tpu.memory_space<vmem_shared>> -> memref<10240x128xf32, #tpu.memory_space<vmem_shared>>
      tpu.wait_indirect_dma semaphore(%arg12 : memref<!tpu.dma_semaphore, #tpu.memory_space<semaphore_mem>>) src(%arg8 : memref<200x128xf32, #tpu.memory_space<vmem>>) dst(%dma_wait3A_48 : memref<10240x128xf32, #tpu.memory_space<vmem_shared>>)
    }
    %scan3A_22 = arith.constant 50 : i32
    %barrier3A_23 = arith.constant 0 : index
    tpu.barrier barrier_id(%barrier3A_23)
    %mul3A_24 = arith.constant 640 : i32
    %mul3A_25 = arith.muli %arg1, %mul3A_24 : i32
    "tpu.region"() ({
      %run_scoped3A = tpu.sem_alloc : memref<!tpu.dma_semaphore, #tpu.memory_space<semaphore_mem>>
      %dma_start3A = arith.constant 0 : i32
      %dma_start3A_26 = arith.constant 0 : i32
      %dma_start3A_27 = tpu.memref_slice %arg6[%arg0, %dma_start3A, %dma_start3A_26] : memref<2x10240x128xf32, #tpu.memory_space<hbm>> -> memref<1x10240x128xf32, #tpu.memory_space<hbm>>
      %dma_start3A_28 = tpu.memref_squeeze %dma_start3A_27 : memref<1x10240x128xf32, #tpu.memory_space<hbm>> -> memref<10240x128xf32, #tpu.memory_space<hbm>>
      %dma_start3A_29 = arith.constant 0 : i32
      %dma_start3A_30 = tpu.memref_slice %dma_start3A_28[%mul3A_25, %dma_start3A_29] : memref<10240x128xf32, #tpu.memory_space<hbm>> -> memref<640x128xf32, #tpu.memory_space<hbm>>
      %dma_start3A_31 = arith.constant 0 : i32
      %dma_start3A_32 = tpu.memref_slice %arg7[%mul3A_25, %dma_start3A_31] : memref<10240x128xf32, #tpu.memory_space<vmem_shared>> -> memref<640x128xf32, #tpu.memory_space<vmem_shared>>
      tpu.enqueue_dma source(%dma_start3A_32 : memref<640x128xf32, #tpu.memory_space<vmem_shared>>) target(%dma_start3A_30 : memref<640x128xf32, #tpu.memory_space<hbm>>) target_semaphore(%run_scoped3A : memref<!tpu.dma_semaphore, #tpu.memory_space<semaphore_mem>>)
      %dma_wait3A = arith.constant 0 : i32
      %dma_wait3A_33 = arith.constant 0 : i32
      %dma_wait3A_34 = tpu.memref_slice %arg6[%arg0, %dma_wait3A, %dma_wait3A_33] : memref<2x10240x128xf32, #tpu.memory_space<hbm>> -> memref<1x10240x128xf32, #tpu.memory_space<hbm>>
      %dma_wait3A_35 = tpu.memref_squeeze %dma_wait3A_34 : memref<1x10240x128xf32, #tpu.memory_space<hbm>> -> memref<10240x128xf32, #tpu.memory_space<hbm>>
      %dma_wait3A_36 = arith.constant 0 : i32
      %dma_wait3A_37 = tpu.memref_slice %dma_wait3A_35[%mul3A_25, %dma_wait3A_36] : memref<10240x128xf32, #tpu.memory_space<hbm>> -> memref<640x128xf32, #tpu.memory_space<hbm>>
      %dma_wait3A_38 = arith.constant 0 : i32
      %dma_wait3A_39 = tpu.memref_slice %arg7[%mul3A_25, %dma_wait3A_38] : memref<10240x128xf32, #tpu.memory_space<vmem_shared>> -> memref<640x128xf32, #tpu.memory_space<vmem_shared>>
      tpu.wait_dma2 semaphore(%run_scoped3A : memref<!tpu.dma_semaphore, #tpu.memory_space<semaphore_mem>>) src(%dma_wait3A_39 : memref<640x128xf32, #tpu.memory_space<vmem_shared>>) dst(%dma_wait3A_37 : memref<640x128xf32, #tpu.memory_space<hbm>>)
      tpu.yield
    }) : () -> ()
    return
  }
}

#map = affine_map<(d0, d1) -> (0, 0)>
#map1 = affine_map<(d0, d1) -> (0)>
#map2 = affine_map<(d0, d1) -> (0, 0, 0)>
module attributes {stable_mosaic.version = 14 : i64} {
  func.func @_agg_body(%arg0: i32, %arg1: i32, %arg2: memref<10240x128xf32, #tpu.memory_space<hbm>>, %arg3: memref<320000xi32, #tpu.memory_space<hbm>>, %arg4: memref<320000xi32, #tpu.memory_space<hbm>>, %arg5: memref<320000xf32, #tpu.memory_space<hbm>>, %arg6: memref<2x10240x128xf32, #tpu.memory_space<hbm>>, %arg7: memref<10240x128xf32, #tpu.memory_space<vmem_shared>>, %arg8: memref<200x128xf32, #tpu.memory_space<vmem>>, %arg9: memref<200xi32, #tpu.memory_space<vmem>>, %arg10: memref<200xi32, #tpu.memory_space<vmem>>, %arg11: memref<200xf32, #tpu.memory_space<vmem>>, %arg12: memref<!tpu.dma_semaphore, #tpu.memory_space<semaphore_mem>>) attributes {dimension_semantics = [#tpu.dimension_semantics<core_parallel>, #tpu.dimension_semantics<subcore_parallel>], iteration_bounds = array<i64: 2, 16>, scalar_prefetch = 0 : i64, scratch_operands = 6 : i64, tpu.core_type = #tpu.core_type<sc_vector_subcore>, window_params = [{transform_indices = #map}, {transform_indices = #map1}, {transform_indices = #map1}, {transform_indices = #map1}, {transform_indices = #map2}]} {
    %mul3A = arith.constant 16 : i32
    %mul3A_0 = arith.muli %arg0, %mul3A : i32
    %add3A = arith.addi %mul3A_0, %arg1 : i32
    %broadcast_in_dim3A = arith.constant 0.000000e+00 : f32
    %broadcast_in_dim3A_1 = vector.broadcast %broadcast_in_dim3A : f32 to vector<16xf32>
    %scan3A = arith.constant 0 : i32
    %scan3A_2 = arith.constant 200 : i32
    %scan3A_3 = arith.addi %scan3A, %scan3A_2 : i32
    %scan3A_4 = arith.constant 1 : i32
    scf.for %scan3A_26 = %scan3A to %scan3A_3 step %scan3A_4  : i32 {
      %mul3A_27 = arith.constant 1 : i32
      %mul3A_28 = arith.muli %scan3A_26, %mul3A_27 : i32
      %add3A_29 = arith.constant 0 : i32
      %add3A_30 = arith.addi %add3A_29, %mul3A_28 : i32
      %swap3A = arith.index_cast %add3A_30 : i32 to index
      %swap3A_31 = arith.constant 0 : index
      %swap3A_32 = tpu.vector_load %arg8[%swap3A, %swap3A_31] {strides = array<i32>} : memref<200x128xf32, #tpu.memory_space<vmem>>, vector<16xf32>,
      tpu.vector_store %arg8[%swap3A, %swap3A_31], %broadcast_in_dim3A_1 {strides = array<i32>} : memref<200x128xf32, #tpu.memory_space<vmem>>, vector<16xf32>,
      %swap3A_33 = arith.index_cast %add3A_30 : i32 to index
      %swap3A_34 = arith.constant 16 : index
      %swap3A_35 = tpu.vector_load %arg8[%swap3A_33, %swap3A_34] {strides = array<i32>} : memref<200x128xf32, #tpu.memory_space<vmem>>, vector<16xf32>,
      tpu.vector_store %arg8[%swap3A_33, %swap3A_34], %broadcast_in_dim3A_1 {strides = array<i32>} : memref<200x128xf32, #tpu.memory_space<vmem>>, vector<16xf32>,
      %swap3A_36 = arith.index_cast %add3A_30 : i32 to index
      %swap3A_37 = arith.constant 32 : index
      %swap3A_38 = tpu.vector_load %arg8[%swap3A_36, %swap3A_37] {strides = array<i32>} : memref<200x128xf32, #tpu.memory_space<vmem>>, vector<16xf32>,
      tpu.vector_store %arg8[%swap3A_36, %swap3A_37], %broadcast_in_dim3A_1 {strides = array<i32>} : memref<200x128xf32, #tpu.memory_space<vmem>>, vector<16xf32>,
      %swap3A_39 = arith.index_cast %add3A_30 : i32 to index
      %swap3A_40 = arith.constant 48 : index
      %swap3A_41 = tpu.vector_load %arg8[%swap3A_39, %swap3A_40] {strides = array<i32>} : memref<200x128xf32, #tpu.memory_space<vmem>>, vector<16xf32>,
      tpu.vector_store %arg8[%swap3A_39, %swap3A_40], %broadcast_in_dim3A_1 {strides = array<i32>} : memref<200x128xf32, #tpu.memory_space<vmem>>, vector<16xf32>,
      %swap3A_42 = arith.index_cast %add3A_30 : i32 to index
      %swap3A_43 = arith.constant 64 : index
      %swap3A_44 = tpu.vector_load %arg8[%swap3A_42, %swap3A_43] {strides = array<i32>} : memref<200x128xf32, #tpu.memory_space<vmem>>, vector<16xf32>,
      tpu.vector_store %arg8[%swap3A_42, %swap3A_43], %broadcast_in_dim3A_1 {strides = array<i32>} : memref<200x128xf32, #tpu.memory_space<vmem>>, vector<16xf32>,
      %swap3A_45 = arith.index_cast %add3A_30 : i32 to index
      %swap3A_46 = arith.constant 80 : index
      %swap3A_47 = tpu.vector_load %arg8[%swap3A_45, %swap3A_46] {strides = array<i32>} : memref<200x128xf32, #tpu.memory_space<vmem>>, vector<16xf32>,
      tpu.vector_store %arg8[%swap3A_45, %swap3A_46], %broadcast_in_dim3A_1 {strides = array<i32>} : memref<200x128xf32, #tpu.memory_space<vmem>>, vector<16xf32>,
      %swap3A_48 = arith.index_cast %add3A_30 : i32 to index
      %swap3A_49 = arith.constant 96 : index
      %swap3A_50 = tpu.vector_load %arg8[%swap3A_48, %swap3A_49] {strides = array<i32>} : memref<200x128xf32, #tpu.memory_space<vmem>>, vector<16xf32>,
      tpu.vector_store %arg8[%swap3A_48, %swap3A_49], %broadcast_in_dim3A_1 {strides = array<i32>} : memref<200x128xf32, #tpu.memory_space<vmem>>, vector<16xf32>,
      %swap3A_51 = arith.index_cast %add3A_30 : i32 to index
      %swap3A_52 = arith.constant 112 : index
      %swap3A_53 = tpu.vector_load %arg8[%swap3A_51, %swap3A_52] {strides = array<i32>} : memref<200x128xf32, #tpu.memory_space<vmem>>, vector<16xf32>,
      tpu.vector_store %arg8[%swap3A_51, %swap3A_52], %broadcast_in_dim3A_1 {strides = array<i32>} : memref<200x128xf32, #tpu.memory_space<vmem>>, vector<16xf32>,
    }
    %scan3A_5 = arith.constant 200 : i32
    %mul3A_6 = arith.constant 640 : i32
    %mul3A_7 = arith.muli %arg1, %mul3A_6 : i32
    %add3A_8 = arith.constant 0 : i32
    %add3A_9 = arith.addi %mul3A_7, %add3A_8 : i32
    "tpu.region"() ({
      %run_scoped3A = tpu.sem_alloc : memref<!tpu.dma_semaphore, #tpu.memory_space<semaphore_mem>>
      %dma_start3A = arith.constant 0 : i32
      %dma_start3A_26 = arith.constant 0 : i32
      %dma_start3A_27 = tpu.memref_slice %arg8[%dma_start3A, %dma_start3A_26] : memref<200x128xf32, #tpu.memory_space<vmem>> -> memref<200x128xf32, #tpu.memory_space<vmem>>
      %dma_start3A_28 = arith.constant 0 : i32
      %dma_start3A_29 = tpu.memref_slice %arg7[%add3A_9, %dma_start3A_28] : memref<10240x128xf32, #tpu.memory_space<vmem_shared>> -> memref<200x128xf32, #tpu.memory_space<vmem_shared>>
      %dma_start3A_30 = arith.constant 0 : i32
      %dma_start3A_31 = tpu.memref_slice %arg7[%add3A_9, %dma_start3A_30] : memref<10240x128xf32, #tpu.memory_space<vmem_shared>> -> memref<200x128xf32, #tpu.memory_space<vmem_shared>>
      %dma_start3A_32 = arith.constant 0 : i32
      %dma_start3A_33 = arith.constant 0 : i32
      %dma_start3A_34 = tpu.memref_slice %arg8[%dma_start3A_32, %dma_start3A_33] : memref<200x128xf32, #tpu.memory_space<vmem>> -> memref<200x128xf32, #tpu.memory_space<vmem>>
      tpu.enqueue_dma source(%dma_start3A_34 : memref<200x128xf32, #tpu.memory_space<vmem>>) target(%dma_start3A_31 : memref<200x128xf32, #tpu.memory_space<vmem_shared>>) target_semaphore(%run_scoped3A : memref<!tpu.dma_semaphore, #tpu.memory_space<semaphore_mem>>)
      %dma_wait3A = arith.constant 0 : i32
      %dma_wait3A_35 = arith.constant 0 : i32
      %dma_wait3A_36 = tpu.memref_slice %arg8[%dma_wait3A, %dma_wait3A_35] : memref<200x128xf32, #tpu.memory_space<vmem>> -> memref<200x128xf32, #tpu.memory_space<vmem>>
      %dma_wait3A_37 = arith.constant 0 : i32
      %dma_wait3A_38 = tpu.memref_slice %arg7[%add3A_9, %dma_wait3A_37] : memref<10240x128xf32, #tpu.memory_space<vmem_shared>> -> memref<200x128xf32, #tpu.memory_space<vmem_shared>>
      %dma_wait3A_39 = arith.constant 0 : i32
      %dma_wait3A_40 = tpu.memref_slice %arg7[%add3A_9, %dma_wait3A_39] : memref<10240x128xf32, #tpu.memory_space<vmem_shared>> -> memref<200x128xf32, #tpu.memory_space<vmem_shared>>
      %dma_wait3A_41 = arith.constant 0 : i32
      %dma_wait3A_42 = arith.constant 0 : i32
      %dma_wait3A_43 = tpu.memref_slice %arg8[%dma_wait3A_41, %dma_wait3A_42] : memref<200x128xf32, #tpu.memory_space<vmem>> -> memref<200x128xf32, #tpu.memory_space<vmem>>
      tpu.wait_dma2 semaphore(%run_scoped3A : memref<!tpu.dma_semaphore, #tpu.memory_space<semaphore_mem>>) src(%dma_wait3A_43 : memref<200x128xf32, #tpu.memory_space<vmem>>) dst(%dma_wait3A_40 : memref<200x128xf32, #tpu.memory_space<vmem_shared>>)
      tpu.yield
    }) : () -> ()
    %add3A_10 = arith.constant 200 : i32
    %add3A_11 = arith.addi %mul3A_7, %add3A_10 : i32
    "tpu.region"() ({
      %run_scoped3A = tpu.sem_alloc : memref<!tpu.dma_semaphore, #tpu.memory_space<semaphore_mem>>
      %dma_start3A = arith.constant 0 : i32
      %dma_start3A_26 = arith.constant 0 : i32
      %dma_start3A_27 = tpu.memref_slice %arg8[%dma_start3A, %dma_start3A_26] : memref<200x128xf32, #tpu.memory_space<vmem>> -> memref<200x128xf32, #tpu.memory_space<vmem>>
      %dma_start3A_28 = arith.constant 0 : i32
      %dma_start3A_29 = tpu.memref_slice %arg7[%add3A_11, %dma_start3A_28] : memref<10240x128xf32, #tpu.memory_space<vmem_shared>> -> memref<200x128xf32, #tpu.memory_space<vmem_shared>>
      %dma_start3A_30 = arith.constant 0 : i32
      %dma_start3A_31 = tpu.memref_slice %arg7[%add3A_11, %dma_start3A_30] : memref<10240x128xf32, #tpu.memory_space<vmem_shared>> -> memref<200x128xf32, #tpu.memory_space<vmem_shared>>
      %dma_start3A_32 = arith.constant 0 : i32
      %dma_start3A_33 = arith.constant 0 : i32
      %dma_start3A_34 = tpu.memref_slice %arg8[%dma_start3A_32, %dma_start3A_33] : memref<200x128xf32, #tpu.memory_space<vmem>> -> memref<200x128xf32, #tpu.memory_space<vmem>>
      tpu.enqueue_dma source(%dma_start3A_34 : memref<200x128xf32, #tpu.memory_space<vmem>>) target(%dma_start3A_31 : memref<200x128xf32, #tpu.memory_space<vmem_shared>>) target_semaphore(%run_scoped3A : memref<!tpu.dma_semaphore, #tpu.memory_space<semaphore_mem>>)
      %dma_wait3A = arith.constant 0 : i32
      %dma_wait3A_35 = arith.constant 0 : i32
      %dma_wait3A_36 = tpu.memref_slice %arg8[%dma_wait3A, %dma_wait3A_35] : memref<200x128xf32, #tpu.memory_space<vmem>> -> memref<200x128xf32, #tpu.memory_space<vmem>>
      %dma_wait3A_37 = arith.constant 0 : i32
      %dma_wait3A_38 = tpu.memref_slice %arg7[%add3A_11, %dma_wait3A_37] : memref<10240x128xf32, #tpu.memory_space<vmem_shared>> -> memref<200x128xf32, #tpu.memory_space<vmem_shared>>
      %dma_wait3A_39 = arith.constant 0 : i32
      %dma_wait3A_40 = tpu.memref_slice %arg7[%add3A_11, %dma_wait3A_39] : memref<10240x128xf32, #tpu.memory_space<vmem_shared>> -> memref<200x128xf32, #tpu.memory_space<vmem_shared>>
      %dma_wait3A_41 = arith.constant 0 : i32
      %dma_wait3A_42 = arith.constant 0 : i32
      %dma_wait3A_43 = tpu.memref_slice %arg8[%dma_wait3A_41, %dma_wait3A_42] : memref<200x128xf32, #tpu.memory_space<vmem>> -> memref<200x128xf32, #tpu.memory_space<vmem>>
      tpu.wait_dma2 semaphore(%run_scoped3A : memref<!tpu.dma_semaphore, #tpu.memory_space<semaphore_mem>>) src(%dma_wait3A_43 : memref<200x128xf32, #tpu.memory_space<vmem>>) dst(%dma_wait3A_40 : memref<200x128xf32, #tpu.memory_space<vmem_shared>>)
      tpu.yield
    }) : () -> ()
    %add3A_12 = arith.constant 400 : i32
    %add3A_13 = arith.addi %mul3A_7, %add3A_12 : i32
    "tpu.region"() ({
      %run_scoped3A = tpu.sem_alloc : memref<!tpu.dma_semaphore, #tpu.memory_space<semaphore_mem>>
      %dma_start3A = arith.constant 0 : i32
      %dma_start3A_26 = arith.constant 0 : i32
      %dma_start3A_27 = tpu.memref_slice %arg8[%dma_start3A, %dma_start3A_26] : memref<200x128xf32, #tpu.memory_space<vmem>> -> memref<200x128xf32, #tpu.memory_space<vmem>>
      %dma_start3A_28 = arith.constant 0 : i32
      %dma_start3A_29 = tpu.memref_slice %arg7[%add3A_13, %dma_start3A_28] : memref<10240x128xf32, #tpu.memory_space<vmem_shared>> -> memref<200x128xf32, #tpu.memory_space<vmem_shared>>
      %dma_start3A_30 = arith.constant 0 : i32
      %dma_start3A_31 = tpu.memref_slice %arg7[%add3A_13, %dma_start3A_30] : memref<10240x128xf32, #tpu.memory_space<vmem_shared>> -> memref<200x128xf32, #tpu.memory_space<vmem_shared>>
      %dma_start3A_32 = arith.constant 0 : i32
      %dma_start3A_33 = arith.constant 0 : i32
      %dma_start3A_34 = tpu.memref_slice %arg8[%dma_start3A_32, %dma_start3A_33] : memref<200x128xf32, #tpu.memory_space<vmem>> -> memref<200x128xf32, #tpu.memory_space<vmem>>
      tpu.enqueue_dma source(%dma_start3A_34 : memref<200x128xf32, #tpu.memory_space<vmem>>) target(%dma_start3A_31 : memref<200x128xf32, #tpu.memory_space<vmem_shared>>) target_semaphore(%run_scoped3A : memref<!tpu.dma_semaphore, #tpu.memory_space<semaphore_mem>>)
      %dma_wait3A = arith.constant 0 : i32
      %dma_wait3A_35 = arith.constant 0 : i32
      %dma_wait3A_36 = tpu.memref_slice %arg8[%dma_wait3A, %dma_wait3A_35] : memref<200x128xf32, #tpu.memory_space<vmem>> -> memref<200x128xf32, #tpu.memory_space<vmem>>
      %dma_wait3A_37 = arith.constant 0 : i32
      %dma_wait3A_38 = tpu.memref_slice %arg7[%add3A_13, %dma_wait3A_37] : memref<10240x128xf32, #tpu.memory_space<vmem_shared>> -> memref<200x128xf32, #tpu.memory_space<vmem_shared>>
      %dma_wait3A_39 = arith.constant 0 : i32
      %dma_wait3A_40 = tpu.memref_slice %arg7[%add3A_13, %dma_wait3A_39] : memref<10240x128xf32, #tpu.memory_space<vmem_shared>> -> memref<200x128xf32, #tpu.memory_space<vmem_shared>>
      %dma_wait3A_41 = arith.constant 0 : i32
      %dma_wait3A_42 = arith.constant 0 : i32
      %dma_wait3A_43 = tpu.memref_slice %arg8[%dma_wait3A_41, %dma_wait3A_42] : memref<200x128xf32, #tpu.memory_space<vmem>> -> memref<200x128xf32, #tpu.memory_space<vmem>>
      tpu.wait_dma2 semaphore(%run_scoped3A : memref<!tpu.dma_semaphore, #tpu.memory_space<semaphore_mem>>) src(%dma_wait3A_43 : memref<200x128xf32, #tpu.memory_space<vmem>>) dst(%dma_wait3A_40 : memref<200x128xf32, #tpu.memory_space<vmem_shared>>)
      tpu.yield
    }) : () -> ()
    %add3A_14 = arith.constant 600 : i32
    %add3A_15 = arith.addi %mul3A_7, %add3A_14 : i32
    "tpu.region"() ({
      %run_scoped3A = tpu.sem_alloc : memref<!tpu.dma_semaphore, #tpu.memory_space<semaphore_mem>>
      %dma_start3A = arith.constant 0 : i32
      %dma_start3A_26 = arith.constant 0 : i32
      %dma_start3A_27 = tpu.memref_slice %arg8[%dma_start3A, %dma_start3A_26] : memref<200x128xf32, #tpu.memory_space<vmem>> -> memref<40x128xf32, #tpu.memory_space<vmem>>
      %dma_start3A_28 = arith.constant 0 : i32
      %dma_start3A_29 = tpu.memref_slice %arg7[%add3A_15, %dma_start3A_28] : memref<10240x128xf32, #tpu.memory_space<vmem_shared>> -> memref<40x128xf32, #tpu.memory_space<vmem_shared>>
      %dma_start3A_30 = arith.constant 0 : i32
      %dma_start3A_31 = tpu.memref_slice %arg7[%add3A_15, %dma_start3A_30] : memref<10240x128xf32, #tpu.memory_space<vmem_shared>> -> memref<40x128xf32, #tpu.memory_space<vmem_shared>>
      %dma_start3A_32 = arith.constant 0 : i32
      %dma_start3A_33 = arith.constant 0 : i32
      %dma_start3A_34 = tpu.memref_slice %arg8[%dma_start3A_32, %dma_start3A_33] : memref<200x128xf32, #tpu.memory_space<vmem>> -> memref<40x128xf32, #tpu.memory_space<vmem>>
      tpu.enqueue_dma source(%dma_start3A_34 : memref<40x128xf32, #tpu.memory_space<vmem>>) target(%dma_start3A_31 : memref<40x128xf32, #tpu.memory_space<vmem_shared>>) target_semaphore(%run_scoped3A : memref<!tpu.dma_semaphore, #tpu.memory_space<semaphore_mem>>)
      %dma_wait3A = arith.constant 0 : i32
      %dma_wait3A_35 = arith.constant 0 : i32
      %dma_wait3A_36 = tpu.memref_slice %arg8[%dma_wait3A, %dma_wait3A_35] : memref<200x128xf32, #tpu.memory_space<vmem>> -> memref<40x128xf32, #tpu.memory_space<vmem>>
      %dma_wait3A_37 = arith.constant 0 : i32
      %dma_wait3A_38 = tpu.memref_slice %arg7[%add3A_15, %dma_wait3A_37] : memref<10240x128xf32, #tpu.memory_space<vmem_shared>> -> memref<40x128xf32, #tpu.memory_space<vmem_shared>>
      %dma_wait3A_39 = arith.constant 0 : i32
      %dma_wait3A_40 = tpu.memref_slice %arg7[%add3A_15, %dma_wait3A_39] : memref<10240x128xf32, #tpu.memory_space<vmem_shared>> -> memref<40x128xf32, #tpu.memory_space<vmem_shared>>
      %dma_wait3A_41 = arith.constant 0 : i32
      %dma_wait3A_42 = arith.constant 0 : i32
      %dma_wait3A_43 = tpu.memref_slice %arg8[%dma_wait3A_41, %dma_wait3A_42] : memref<200x128xf32, #tpu.memory_space<vmem>> -> memref<40x128xf32, #tpu.memory_space<vmem>>
      tpu.wait_dma2 semaphore(%run_scoped3A : memref<!tpu.dma_semaphore, #tpu.memory_space<semaphore_mem>>) src(%dma_wait3A_43 : memref<40x128xf32, #tpu.memory_space<vmem>>) dst(%dma_wait3A_40 : memref<40x128xf32, #tpu.memory_space<vmem_shared>>)
      tpu.yield
    }) : () -> ()
    %barrier3A = arith.constant 0 : index
    tpu.barrier barrier_id(%barrier3A)
    %mul3A_16 = arith.constant 10000 : i32
    %mul3A_17 = arith.muli %add3A, %mul3A_16 : i32
    %scan3A_18 = arith.constant 0 : i32
    %scan3A_19 = arith.constant 50 : i32
    %scan3A_20 = arith.addi %scan3A_18, %scan3A_19 : i32
    %scan3A_21 = arith.constant 1 : i32
    scf.for %scan3A_26 = %scan3A_18 to %scan3A_20 step %scan3A_21  : i32 {
      %mul3A_27 = arith.constant 1 : i32
      %mul3A_28 = arith.muli %scan3A_26, %mul3A_27 : i32
      %add3A_29 = arith.constant 0 : i32
      %add3A_30 = arith.addi %add3A_29, %mul3A_28 : i32
      %mul3A_31 = arith.constant 200 : i32
      %mul3A_32 = arith.muli %add3A_30, %mul3A_31 : i32
      %add3A_33 = arith.addi %mul3A_17, %mul3A_32 : i32
      "tpu.region"() ({
        %run_scoped3A = tpu.sem_alloc : memref<!tpu.dma_semaphore, #tpu.memory_space<semaphore_mem>>
        %dma_start3A_49 = tpu.memref_slice %arg3[%add3A_33] : memref<320000xi32, #tpu.memory_space<hbm>> -> memref<200xi32, #tpu.memory_space<hbm>>
        %dma_start3A_50 = tpu.memref_slice %arg3[%add3A_33] : memref<320000xi32, #tpu.memory_space<hbm>> -> memref<200xi32, #tpu.memory_space<hbm>>
        tpu.enqueue_dma source(%dma_start3A_50 : memref<200xi32, #tpu.memory_space<hbm>>) target(%arg9 : memref<200xi32, #tpu.memory_space<vmem>>) target_semaphore(%run_scoped3A : memref<!tpu.dma_semaphore, #tpu.memory_space<semaphore_mem>>)
        %dma_wait3A_51 = tpu.memref_slice %arg3[%add3A_33] : memref<320000xi32, #tpu.memory_space<hbm>> -> memref<200xi32, #tpu.memory_space<hbm>>
        %dma_wait3A_52 = tpu.memref_slice %arg3[%add3A_33] : memref<320000xi32, #tpu.memory_space<hbm>> -> memref<200xi32, #tpu.memory_space<hbm>>
        tpu.wait_dma2 semaphore(%run_scoped3A : memref<!tpu.dma_semaphore, #tpu.memory_space<semaphore_mem>>) src(%dma_wait3A_52 : memref<200xi32, #tpu.memory_space<hbm>>) dst(%arg9 : memref<200xi32, #tpu.memory_space<vmem>>)
        tpu.yield
      }) : () -> ()
      "tpu.region"() ({
        %run_scoped3A = tpu.sem_alloc : memref<!tpu.dma_semaphore, #tpu.memory_space<semaphore_mem>>
        %dma_start3A_49 = tpu.memref_slice %arg4[%add3A_33] : memref<320000xi32, #tpu.memory_space<hbm>> -> memref<200xi32, #tpu.memory_space<hbm>>
        %dma_start3A_50 = tpu.memref_slice %arg4[%add3A_33] : memref<320000xi32, #tpu.memory_space<hbm>> -> memref<200xi32, #tpu.memory_space<hbm>>
        tpu.enqueue_dma source(%dma_start3A_50 : memref<200xi32, #tpu.memory_space<hbm>>) target(%arg10 : memref<200xi32, #tpu.memory_space<vmem>>) target_semaphore(%run_scoped3A : memref<!tpu.dma_semaphore, #tpu.memory_space<semaphore_mem>>)
        %dma_wait3A_51 = tpu.memref_slice %arg4[%add3A_33] : memref<320000xi32, #tpu.memory_space<hbm>> -> memref<200xi32, #tpu.memory_space<hbm>>
        %dma_wait3A_52 = tpu.memref_slice %arg4[%add3A_33] : memref<320000xi32, #tpu.memory_space<hbm>> -> memref<200xi32, #tpu.memory_space<hbm>>
        tpu.wait_dma2 semaphore(%run_scoped3A : memref<!tpu.dma_semaphore, #tpu.memory_space<semaphore_mem>>) src(%dma_wait3A_52 : memref<200xi32, #tpu.memory_space<hbm>>) dst(%arg10 : memref<200xi32, #tpu.memory_space<vmem>>)
        tpu.yield
      }) : () -> ()
      "tpu.region"() ({
        %run_scoped3A = tpu.sem_alloc : memref<!tpu.dma_semaphore, #tpu.memory_space<semaphore_mem>>
        %dma_start3A_49 = tpu.memref_slice %arg5[%add3A_33] : memref<320000xf32, #tpu.memory_space<hbm>> -> memref<200xf32, #tpu.memory_space<hbm>>
        %dma_start3A_50 = tpu.memref_slice %arg5[%add3A_33] : memref<320000xf32, #tpu.memory_space<hbm>> -> memref<200xf32, #tpu.memory_space<hbm>>
        tpu.enqueue_dma source(%dma_start3A_50 : memref<200xf32, #tpu.memory_space<hbm>>) target(%arg11 : memref<200xf32, #tpu.memory_space<vmem>>) target_semaphore(%run_scoped3A : memref<!tpu.dma_semaphore, #tpu.memory_space<semaphore_mem>>)
        %dma_wait3A_51 = tpu.memref_slice %arg5[%add3A_33] : memref<320000xf32, #tpu.memory_space<hbm>> -> memref<200xf32, #tpu.memory_space<hbm>>
        %dma_wait3A_52 = tpu.memref_slice %arg5[%add3A_33] : memref<320000xf32, #tpu.memory_space<hbm>> -> memref<200xf32, #tpu.memory_space<hbm>>
        tpu.wait_dma2 semaphore(%run_scoped3A : memref<!tpu.dma_semaphore, #tpu.memory_space<semaphore_mem>>) src(%dma_wait3A_52 : memref<200xf32, #tpu.memory_space<hbm>>) dst(%arg11 : memref<200xf32, #tpu.memory_space<vmem>>)
        tpu.yield
      }) : () -> ()
      %dma_start3A = arith.constant 0 : i32
      %dma_start3A_34 = arith.constant 0 : i32
      %dma_start3A_35 = tpu.memref_slice %arg2[%dma_start3A, %dma_start3A_34] : memref<10240x128xf32, #tpu.memory_space<hbm>> -> memref<10240x128xf32, #tpu.memory_space<hbm>>
      tpu.enqueue_indirect_dma source(%dma_start3A_35 : memref<10240x128xf32, #tpu.memory_space<hbm>>) target(%arg8 : memref<200x128xf32, #tpu.memory_space<vmem>>) offsets(%arg9 : memref<200xi32, #tpu.memory_space<vmem>>) semaphore(%arg12 : memref<!tpu.dma_semaphore, #tpu.memory_space<semaphore_mem>>)
      %dma_wait3A = arith.constant 0 : i32
      %dma_wait3A_36 = arith.constant 0 : i32
      %dma_wait3A_37 = tpu.memref_slice %arg2[%dma_wait3A, %dma_wait3A_36] : memref<10240x128xf32, #tpu.memory_space<hbm>> -> memref<10240x128xf32, #tpu.memory_space<hbm>>
      tpu.wait_indirect_dma semaphore(%arg12 : memref<!tpu.dma_semaphore, #tpu.memory_space<semaphore_mem>>) src(%dma_wait3A_37 : memref<10240x128xf32, #tpu.memory_space<hbm>>) dst(%arg8 : memref<200x128xf32, #tpu.memory_space<vmem>>)
      %scan3A_38 = arith.constant 0 : i32
      %scan3A_39 = arith.constant 200 : i32
      %scan3A_40 = arith.addi %scan3A_38, %scan3A_39 : i32
      %scan3A_41 = arith.constant 1 : i32
      scf.for %scan3A_49 = %scan3A_38 to %scan3A_40 step %scan3A_41  : i32 {
        %mul3A_50 = arith.constant 1 : i32
        %mul3A_51 = arith.muli %scan3A_49, %mul3A_50 : i32
        %add3A_52 = arith.constant 0 : i32
        %add3A_53 = arith.addi %add3A_52, %mul3A_51 : i32
        %broadcast_in_dim3A_54 = vector.broadcast %add3A_53 : i32 to vector<16xi32>
        %gather3A = tpu.vector_load_idx %arg11[%broadcast_in_dim3A_54] : memref<200xf32, #tpu.memory_space<vmem>>[vector<16xi32>], vector<16xf32>,
        %get3A = arith.index_cast %add3A_53 : i32 to index
        %get3A_55 = arith.constant 0 : index
        %get3A_56 = tpu.vector_load %arg8[%get3A, %get3A_55] {strides = array<i32>} : memref<200x128xf32, #tpu.memory_space<vmem>>, vector<16xf32>,
        %mul3A_57 = arith.mulf %get3A_56, %gather3A : vector<16xf32>
        %swap3A = arith.index_cast %add3A_53 : i32 to index
        %swap3A_58 = arith.constant 0 : index
        %swap3A_59 = tpu.vector_load %arg8[%swap3A, %swap3A_58] {strides = array<i32>} : memref<200x128xf32, #tpu.memory_space<vmem>>, vector<16xf32>,
        tpu.vector_store %arg8[%swap3A, %swap3A_58], %mul3A_57 {strides = array<i32>} : memref<200x128xf32, #tpu.memory_space<vmem>>, vector<16xf32>,
        %get3A_60 = arith.index_cast %add3A_53 : i32 to index
        %get3A_61 = arith.constant 16 : index
        %get3A_62 = tpu.vector_load %arg8[%get3A_60, %get3A_61] {strides = array<i32>} : memref<200x128xf32, #tpu.memory_space<vmem>>, vector<16xf32>,
        %mul3A_63 = arith.mulf %get3A_62, %gather3A : vector<16xf32>
        %swap3A_64 = arith.index_cast %add3A_53 : i32 to index
        %swap3A_65 = arith.constant 16 : index
        %swap3A_66 = tpu.vector_load %arg8[%swap3A_64, %swap3A_65] {strides = array<i32>} : memref<200x128xf32, #tpu.memory_space<vmem>>, vector<16xf32>,
        tpu.vector_store %arg8[%swap3A_64, %swap3A_65], %mul3A_63 {strides = array<i32>} : memref<200x128xf32, #tpu.memory_space<vmem>>, vector<16xf32>,
        %get3A_67 = arith.index_cast %add3A_53 : i32 to index
        %get3A_68 = arith.constant 32 : index
        %get3A_69 = tpu.vector_load %arg8[%get3A_67, %get3A_68] {strides = array<i32>} : memref<200x128xf32, #tpu.memory_space<vmem>>, vector<16xf32>,
        %mul3A_70 = arith.mulf %get3A_69, %gather3A : vector<16xf32>
        %swap3A_71 = arith.index_cast %add3A_53 : i32 to index
        %swap3A_72 = arith.constant 32 : index
        %swap3A_73 = tpu.vector_load %arg8[%swap3A_71, %swap3A_72] {strides = array<i32>} : memref<200x128xf32, #tpu.memory_space<vmem>>, vector<16xf32>,
        tpu.vector_store %arg8[%swap3A_71, %swap3A_72], %mul3A_70 {strides = array<i32>} : memref<200x128xf32, #tpu.memory_space<vmem>>, vector<16xf32>,
        %get3A_74 = arith.index_cast %add3A_53 : i32 to index
        %get3A_75 = arith.constant 48 : index
        %get3A_76 = tpu.vector_load %arg8[%get3A_74, %get3A_75] {strides = array<i32>} : memref<200x128xf32, #tpu.memory_space<vmem>>, vector<16xf32>,
        %mul3A_77 = arith.mulf %get3A_76, %gather3A : vector<16xf32>
        %swap3A_78 = arith.index_cast %add3A_53 : i32 to index
        %swap3A_79 = arith.constant 48 : index
        %swap3A_80 = tpu.vector_load %arg8[%swap3A_78, %swap3A_79] {strides = array<i32>} : memref<200x128xf32, #tpu.memory_space<vmem>>, vector<16xf32>,
        tpu.vector_store %arg8[%swap3A_78, %swap3A_79], %mul3A_77 {strides = array<i32>} : memref<200x128xf32, #tpu.memory_space<vmem>>, vector<16xf32>,
        %get3A_81 = arith.index_cast %add3A_53 : i32 to index
        %get3A_82 = arith.constant 64 : index
        %get3A_83 = tpu.vector_load %arg8[%get3A_81, %get3A_82] {strides = array<i32>} : memref<200x128xf32, #tpu.memory_space<vmem>>, vector<16xf32>,
        %mul3A_84 = arith.mulf %get3A_83, %gather3A : vector<16xf32>
        %swap3A_85 = arith.index_cast %add3A_53 : i32 to index
        %swap3A_86 = arith.constant 64 : index
        %swap3A_87 = tpu.vector_load %arg8[%swap3A_85, %swap3A_86] {strides = array<i32>} : memref<200x128xf32, #tpu.memory_space<vmem>>, vector<16xf32>,
        tpu.vector_store %arg8[%swap3A_85, %swap3A_86], %mul3A_84 {strides = array<i32>} : memref<200x128xf32, #tpu.memory_space<vmem>>, vector<16xf32>,
        %get3A_88 = arith.index_cast %add3A_53 : i32 to index
        %get3A_89 = arith.constant 80 : index
        %get3A_90 = tpu.vector_load %arg8[%get3A_88, %get3A_89] {strides = array<i32>} : memref<200x128xf32, #tpu.memory_space<vmem>>, vector<16xf32>,
        %mul3A_91 = arith.mulf %get3A_90, %gather3A : vector<16xf32>
        %swap3A_92 = arith.index_cast %add3A_53 : i32 to index
        %swap3A_93 = arith.constant 80 : index
        %swap3A_94 = tpu.vector_load %arg8[%swap3A_92, %swap3A_93] {strides = array<i32>} : memref<200x128xf32, #tpu.memory_space<vmem>>, vector<16xf32>,
        tpu.vector_store %arg8[%swap3A_92, %swap3A_93], %mul3A_91 {strides = array<i32>} : memref<200x128xf32, #tpu.memory_space<vmem>>, vector<16xf32>,
        %get3A_95 = arith.index_cast %add3A_53 : i32 to index
        %get3A_96 = arith.constant 96 : index
        %get3A_97 = tpu.vector_load %arg8[%get3A_95, %get3A_96] {strides = array<i32>} : memref<200x128xf32, #tpu.memory_space<vmem>>, vector<16xf32>,
        %mul3A_98 = arith.mulf %get3A_97, %gather3A : vector<16xf32>
        %swap3A_99 = arith.index_cast %add3A_53 : i32 to index
        %swap3A_100 = arith.constant 96 : index
        %swap3A_101 = tpu.vector_load %arg8[%swap3A_99, %swap3A_100] {strides = array<i32>} : memref<200x128xf32, #tpu.memory_space<vmem>>, vector<16xf32>,
        tpu.vector_store %arg8[%swap3A_99, %swap3A_100], %mul3A_98 {strides = array<i32>} : memref<200x128xf32, #tpu.memory_space<vmem>>, vector<16xf32>,
        %get3A_102 = arith.index_cast %add3A_53 : i32 to index
        %get3A_103 = arith.constant 112 : index
        %get3A_104 = tpu.vector_load %arg8[%get3A_102, %get3A_103] {strides = array<i32>} : memref<200x128xf32, #tpu.memory_space<vmem>>, vector<16xf32>,
        %mul3A_105 = arith.mulf %get3A_104, %gather3A : vector<16xf32>
        %swap3A_106 = arith.index_cast %add3A_53 : i32 to index
        %swap3A_107 = arith.constant 112 : index
        %swap3A_108 = tpu.vector_load %arg8[%swap3A_106, %swap3A_107] {strides = array<i32>} : memref<200x128xf32, #tpu.memory_space<vmem>>, vector<16xf32>,
        tpu.vector_store %arg8[%swap3A_106, %swap3A_107], %mul3A_105 {strides = array<i32>} : memref<200x128xf32, #tpu.memory_space<vmem>>, vector<16xf32>,
      }
      %scan3A_42 = arith.constant 200 : i32
      %dma_start3A_43 = arith.constant 0 : i32
      %dma_start3A_44 = arith.constant 0 : i32
      %dma_start3A_45 = tpu.memref_slice %arg7[%dma_start3A_43, %dma_start3A_44] : memref<10240x128xf32, #tpu.memory_space<vmem_shared>> -> memref<10240x128xf32, #tpu.memory_space<vmem_shared>>
      tpu.enqueue_indirect_dma source(%arg8 : memref<200x128xf32, #tpu.memory_space<vmem>>) target(%dma_start3A_45 : memref<10240x128xf32, #tpu.memory_space<vmem_shared>>) offsets(%arg10 : memref<200xi32, #tpu.memory_space<vmem>>) semaphore(%arg12 : memref<!tpu.dma_semaphore, #tpu.memory_space<semaphore_mem>>) {add = true}
      %dma_wait3A_46 = arith.constant 0 : i32
      %dma_wait3A_47 = arith.constant 0 : i32
      %dma_wait3A_48 = tpu.memref_slice %arg7[%dma_wait3A_46, %dma_wait3A_47] : memref<10240x128xf32, #tpu.memory_space<vmem_shared>> -> memref<10240x128xf32, #tpu.memory_space<vmem_shared>>
      tpu.wait_indirect_dma semaphore(%arg12 : memref<!tpu.dma_semaphore, #tpu.memory_space<semaphore_mem>>) src(%arg8 : memref<200x128xf32, #tpu.memory_space<vmem>>) dst(%dma_wait3A_48 : memref<10240x128xf32, #tpu.memory_space<vmem_shared>>)
    }
    %scan3A_22 = arith.constant 50 : i32
    %barrier3A_23 = arith.constant 0 : index
    tpu.barrier barrier_id(%barrier3A_23)
    %mul3A_24 = arith.constant 640 : i32
    %mul3A_25 = arith.muli %arg1, %mul3A_24 : i32
    "tpu.region"() ({
      %run_scoped3A = tpu.sem_alloc : memref<!tpu.dma_semaphore, #tpu.memory_space<semaphore_mem>>
      %dma_start3A = arith.constant 0 : i32
      %dma_start3A_26 = arith.constant 0 : i32
      %dma_start3A_27 = tpu.memref_slice %arg6[%arg0, %dma_start3A, %dma_start3A_26] : memref<2x10240x128xf32, #tpu.memory_space<hbm>> -> memref<1x10240x128xf32, #tpu.memory_space<hbm>>
      %dma_start3A_28 = tpu.memref_squeeze %dma_start3A_27 : memref<1x10240x128xf32, #tpu.memory_space<hbm>> -> memref<10240x128xf32, #tpu.memory_space<hbm>>
      %dma_start3A_29 = arith.constant 0 : i32
      %dma_start3A_30 = tpu.memref_slice %dma_start3A_28[%mul3A_25, %dma_start3A_29] : memref<10240x128xf32, #tpu.memory_space<hbm>> -> memref<640x128xf32, #tpu.memory_space<hbm>>
      %dma_start3A_31 = arith.constant 0 : i32
      %dma_start3A_32 = tpu.memref_slice %arg7[%mul3A_25, %dma_start3A_31] : memref<10240x128xf32, #tpu.memory_space<vmem_shared>> -> memref<640x128xf32, #tpu.memory_space<vmem_shared>>
      tpu.enqueue_dma source(%dma_start3A_32 : memref<640x128xf32, #tpu.memory_space<vmem_shared>>) target(%dma_start3A_30 : memref<640x128xf32, #tpu.memory_space<hbm>>) target_semaphore(%run_scoped3A : memref<!tpu.dma_semaphore, #tpu.memory_space<semaphore_mem>>)
      %dma_wait3A = arith.constant 0 : i32
      %dma_wait3A_33 = arith.constant 0 : i32
      %dma_wait3A_34 = tpu.memref_slice %arg6[%arg0, %dma_wait3A, %dma_wait3A_33] : memref<2x10240x128xf32, #tpu.memory_space<hbm>> -> memref<1x10240x128xf32, #tpu.memory_space<hbm>>
      %dma_wait3A_35 = tpu.memref_squeeze %dma_wait3A_34 : memref<1x10240x128xf32, #tpu.memory_space<hbm>> -> memref<10240x128xf32, #tpu.memory_space<hbm>>
      %dma_wait3A_36 = arith.constant 0 : i32
      %dma_wait3A_37 = tpu.memref_slice %dma_wait3A_35[%mul3A_25, %dma_wait3A_36] : memref<10240x128xf32, #tpu.memory_space<hbm>> -> memref<640x128xf32, #tpu.memory_space<hbm>>
      %dma_wait3A_38 = arith.constant 0 : i32
      %dma_wait3A_39 = tpu.memref_slice %arg7[%mul3A_25, %dma_wait3A_38] : memref<10240x128xf32, #tpu.memory_space<vmem_shared>> -> memref<640x128xf32, #tpu.memory_space<vmem_shared>>
      tpu.wait_dma2 semaphore(%run_scoped3A : memref<!tpu.dma_semaphore, #tpu.memory_space<semaphore_mem>>) src(%dma_wait3A_39 : memref<640x128xf32, #tpu.memory_space<vmem_shared>>) dst(%dma_wait3A_37 : memref<640x128xf32, #tpu.memory_space<hbm>>)
      tpu.yield
    }) : () -> ()
    return
  }
}

module attributes {stable_mosaic.version = 14 : i64} {
  func.func @_mm_body(%arg0: i32, %arg1: memref<1024x128xf32, #tpu.memory_space<vmem>>, %arg2: memref<128x128xf32, #tpu.memory_space<vmem>>, %arg3: memref<1024x128xf32, #tpu.memory_space<vmem>>) attributes {dimension_semantics = [#tpu.dimension_semantics<arbitrary>], iteration_bounds = array<i64: 10>, scalar_prefetch = 0 : i64, scratch_operands = 0 : i64, tpu.core_type = #tpu.core_type<tc>, window_params = [{transform_indices = @transform_0, window_bounds = array<i64: 1024, 128>}, {pipeline_mode = #tpu.pipeline_mode<synchronous>, transform_indices = @transform_1, window_bounds = array<i64: 128, 128>}, {transform_indices = @transform_2, window_bounds = array<i64: 1024, 128>}]} {
    %get3A = arith.constant 0 : index
    %get3A_0 = arith.constant 0 : index
    %get3A_1 = vector.load %arg1[%get3A, %get3A_0] : memref<1024x128xf32, #tpu.memory_space<vmem>>, vector<1024x128xf32>
    %get3A_2 = arith.constant 0 : index
    %get3A_3 = arith.constant 0 : index
    %get3A_4 = vector.load %arg2[%get3A_2, %get3A_3] : memref<128x128xf32, #tpu.memory_space<vmem>>, vector<128x128xf32>
    %dot_general3A = arith.constant dense<0.000000e+00> : vector<1024x128xf32>
    %dot_general3A_5 = tpu.matmul %get3A_1, %get3A_4, %dot_general3A {dimension_numbers = #tpu.dot_dimension_numbers<[1], [0], [0], [1], [0, 0, 1, 1], [], []>, transpose_lhs_hint = false} : vector<1024x128xf32>, vector<128x128xf32>, vector<1024x128xf32> -> vector<1024x128xf32>
    %swap3A = arith.constant 0 : index
    %swap3A_6 = arith.constant 0 : index
    %swap3A_7 = vector.load %arg3[%swap3A, %swap3A_6] : memref<1024x128xf32, #tpu.memory_space<vmem>>, vector<1024x128xf32>
    tpu.vector_store %arg3[%swap3A, %swap3A_6], %dot_general3A_5 {strides = array<i32>} : memref<1024x128xf32, #tpu.memory_space<vmem>>, vector<1024x128xf32>,
    return
  }
  func.func @transform_0(%arg0: i32) -> (i32, i32) {
    %c0_i32 = arith.constant 0 : i32
    %c0_i32_0 = arith.constant 0 : i32
    return %arg0, %c0_i32 : i32, i32
  }
  func.func @transform_1(%arg0: i32) -> (i32, i32) {
    %c0_i32 = arith.constant 0 : i32
    %c0_i32_0 = arith.constant 0 : i32
    %c0_i32_1 = arith.constant 0 : i32
    return %c0_i32, %c0_i32_0 : i32, i32
  }
  func.func @transform_2(%arg0: i32) -> (i32, i32) {
    %c0_i32 = arith.constant 0 : i32
    %c0_i32_0 = arith.constant 0 : i32
    return %arg0, %c0_i32 : i32, i32
  }
}

module attributes {stable_mosaic.version = 14 : i64} {
  func.func @_dinv_g_body(%arg0: i32, %arg1: memref<2x1024x16xf32, #tpu.memory_space<vmem>>, %arg2: memref<1024x128xf32, #tpu.memory_space<vmem>>, %arg3: memref<1024x128xf32, #tpu.memory_space<vmem>>, %arg4: memref<1024x1xf32, #tpu.memory_space<vmem>>) attributes {dimension_semantics = [#tpu.dimension_semantics<arbitrary>], iteration_bounds = array<i64: 10>, scalar_prefetch = 0 : i64, scratch_operands = 0 : i64, tpu.core_type = #tpu.core_type<tc>, window_params = [{transform_indices = @transform_0, window_bounds = array<i64: 2, 1024, 16>}, {transform_indices = @transform_1, window_bounds = array<i64: 1024, 128>}, {transform_indices = @transform_2, window_bounds = array<i64: 1024, 128>}, {transform_indices = @transform_3, window_bounds = array<i64: 1024, 1>}]} {
    %get3A = arith.constant 0 : index
    %get3A_0 = arith.constant 0 : index
    %get3A_1 = arith.constant 0 : index
    %get3A_2 = vector.load %arg1[%get3A, %get3A_0, %get3A_1] : memref<2x1024x16xf32, #tpu.memory_space<vmem>>, vector<1x1024x1xf32>
    %get3A_3 = vector.shape_cast %get3A_2 : vector<1x1024x1xf32> to vector<1024x1xf32>
    %get3A_4 = arith.constant 1 : index
    %get3A_5 = arith.constant 0 : index
    %get3A_6 = arith.constant 0 : index
    %get3A_7 = vector.load %arg1[%get3A_4, %get3A_5, %get3A_6] : memref<2x1024x16xf32, #tpu.memory_space<vmem>>, vector<1x1024x1xf32>
    %get3A_8 = vector.shape_cast %get3A_7 : vector<1x1024x1xf32> to vector<1024x1xf32>
    %add3A = arith.addf %get3A_3, %get3A_8 : vector<1024x1xf32>
    %add3A_9 = arith.constant 1.000000e+00 : f32
    %add3A_10 = vector.broadcast %add3A_9 : f32 to vector<1024x1xf32>
    %add3A_11 = arith.addf %add3A, %add3A_10 : vector<1024x1xf32>
    %rsqrt3A = math.rsqrt %add3A_11 : vector<1024x1xf32>
    %swap3A = arith.constant 0 : index
    %swap3A_12 = arith.constant 0 : index
    %swap3A_13 = vector.load %arg4[%swap3A, %swap3A_12] : memref<1024x1xf32, #tpu.memory_space<vmem>>, vector<1024x1xf32>
    tpu.vector_store %arg4[%swap3A, %swap3A_12], %rsqrt3A {strides = array<i32>} : memref<1024x1xf32, #tpu.memory_space<vmem>>, vector<1024x1xf32>,
    %get3A_14 = arith.constant 0 : index
    %get3A_15 = arith.constant 0 : index
    %get3A_16 = vector.load %arg2[%get3A_14, %get3A_15] : memref<1024x128xf32, #tpu.memory_space<vmem>>, vector<1024x128xf32>
    %mul3A = vector.broadcast %rsqrt3A : vector<1024x1xf32> to vector<1024x128xf32>
    %mul3A_17 = arith.mulf %mul3A, %get3A_16 : vector<1024x128xf32>
    %swap3A_18 = arith.constant 0 : index
    %swap3A_19 = arith.constant 0 : index
    %swap3A_20 = vector.load %arg3[%swap3A_18, %swap3A_19] : memref<1024x128xf32, #tpu.memory_space<vmem>>, vector<1024x128xf32>
    tpu.vector_store %arg3[%swap3A_18, %swap3A_19], %mul3A_17 {strides = array<i32>} : memref<1024x128xf32, #tpu.memory_space<vmem>>, vector<1024x128xf32>,
    return
  }
  func.func @transform_0(%arg0: i32) -> (i32, i32, i32) {
    %c0_i32 = arith.constant 0 : i32
    %c0_i32_0 = arith.constant 0 : i32
    %c0_i32_1 = arith.constant 0 : i32
    return %c0_i32, %arg0, %c0_i32_0 : i32, i32, i32
  }
  func.func @transform_1(%arg0: i32) -> (i32, i32) {
    %c0_i32 = arith.constant 0 : i32
    %c0_i32_0 = arith.constant 0 : i32
    return %arg0, %c0_i32 : i32, i32
  }
  func.func @transform_2(%arg0: i32) -> (i32, i32) {
    %c0_i32 = arith.constant 0 : i32
    %c0_i32_0 = arith.constant 0 : i32
    return %arg0, %c0_i32 : i32, i32
  }
  func.func @transform_3(%arg0: i32) -> (i32, i32) {
    %c0_i32 = arith.constant 0 : i32
    %c0_i32_0 = arith.constant 0 : i32
    return %arg0, %c0_i32 : i32, i32
  }
}

module attributes {stable_mosaic.version = 14 : i64} {
  func.func @_mid_body(%arg0: i32, %arg1: memref<2x1024x128xf32, #tpu.memory_space<vmem>>, %arg2: memref<1024x128xf32, #tpu.memory_space<vmem>>, %arg3: memref<1024x1xf32, #tpu.memory_space<vmem>>, %arg4: memref<1x128xf32, #tpu.memory_space<vmem>>, %arg5: memref<128x128xf32, #tpu.memory_space<vmem>>, %arg6: memref<1024x128xf32, #tpu.memory_space<vmem>>) attributes {dimension_semantics = [#tpu.dimension_semantics<arbitrary>], iteration_bounds = array<i64: 10>, scalar_prefetch = 0 : i64, scratch_operands = 0 : i64, tpu.core_type = #tpu.core_type<tc>, window_params = [{transform_indices = @transform_0, window_bounds = array<i64: 2, 1024, 128>}, {transform_indices = @transform_1, window_bounds = array<i64: 1024, 128>}, {transform_indices = @transform_2, window_bounds = array<i64: 1024, 1>}, {pipeline_mode = #tpu.pipeline_mode<synchronous>, transform_indices = @transform_3, window_bounds = array<i64: 1, 128>}, {pipeline_mode = #tpu.pipeline_mode<synchronous>, transform_indices = @transform_4, window_bounds = array<i64: 128, 128>}, {transform_indices = @transform_5, window_bounds = array<i64: 1024, 128>}]} {
    %get3A = arith.constant 0 : index
    %get3A_0 = arith.constant 0 : index
    %get3A_1 = vector.load %arg3[%get3A, %get3A_0] : memref<1024x1xf32, #tpu.memory_space<vmem>>, vector<1024x1xf32>
    %get3A_2 = arith.constant 0 : index
    %get3A_3 = arith.constant 0 : index
    %get3A_4 = arith.constant 0 : index
    %get3A_5 = vector.load %arg1[%get3A_2, %get3A_3, %get3A_4] : memref<2x1024x128xf32, #tpu.memory_space<vmem>>, vector<1x1024x128xf32>
    %get3A_6 = vector.shape_cast %get3A_5 : vector<1x1024x128xf32> to vector<1024x128xf32>
    %get3A_7 = arith.constant 1 : index
    %get3A_8 = arith.constant 0 : index
    %get3A_9 = arith.constant 0 : index
    %get3A_10 = vector.load %arg1[%get3A_7, %get3A_8, %get3A_9] : memref<2x1024x128xf32, #tpu.memory_space<vmem>>, vector<1x1024x128xf32>
    %get3A_11 = vector.shape_cast %get3A_10 : vector<1x1024x128xf32> to vector<1024x128xf32>
    %add3A = arith.addf %get3A_6, %get3A_11 : vector<1024x128xf32>
    %get3A_12 = arith.constant 0 : index
    %get3A_13 = arith.constant 0 : index
    %get3A_14 = vector.load %arg2[%get3A_12, %get3A_13] : memref<1024x128xf32, #tpu.memory_space<vmem>>, vector<1024x128xf32>
    %add3A_15 = arith.addf %add3A, %get3A_14 : vector<1024x128xf32>
    %mul3A = vector.broadcast %get3A_1 : vector<1024x1xf32> to vector<1024x128xf32>
    %mul3A_16 = arith.mulf %mul3A, %add3A_15 : vector<1024x128xf32>
    %get3A_17 = arith.constant 0 : index
    %get3A_18 = arith.constant 0 : index
    %get3A_19 = vector.load %arg4[%get3A_17, %get3A_18] : memref<1x128xf32, #tpu.memory_space<vmem>>, vector<1x128xf32>
    %add3A_20 = vector.broadcast %get3A_19 : vector<1x128xf32> to vector<1024x128xf32>
    %add3A_21 = arith.addf %mul3A_16, %add3A_20 : vector<1024x128xf32>
    %max3A = arith.constant 0.000000e+00 : f32
    %max3A_22 = vector.broadcast %max3A : f32 to vector<1024x128xf32>
    %max3A_23 = arith.maximumf %add3A_21, %max3A_22 : vector<1024x128xf32>
    %get3A_24 = arith.constant 0 : index
    %get3A_25 = arith.constant 0 : index
    %get3A_26 = vector.load %arg3[%get3A_24, %get3A_25] : memref<1024x1xf32, #tpu.memory_space<vmem>>, vector<1024x1xf32>
    %get3A_27 = arith.constant 0 : index
    %get3A_28 = arith.constant 0 : index
    %get3A_29 = vector.load %arg5[%get3A_27, %get3A_28] : memref<128x128xf32, #tpu.memory_space<vmem>>, vector<128x128xf32>
    %dot_general3A = arith.constant dense<0.000000e+00> : vector<1024x128xf32>
    %dot_general3A_30 = tpu.matmul %max3A_23, %get3A_29, %dot_general3A {dimension_numbers = #tpu.dot_dimension_numbers<[1], [0], [0], [1], [0, 0, 1, 1], [], []>, transpose_lhs_hint = false} : vector<1024x128xf32>, vector<128x128xf32>, vector<1024x128xf32> -> vector<1024x128xf32>
    %mul3A_31 = vector.broadcast %get3A_26 : vector<1024x1xf32> to vector<1024x128xf32>
    %mul3A_32 = arith.mulf %mul3A_31, %dot_general3A_30 : vector<1024x128xf32>
    %swap3A = arith.constant 0 : index
    %swap3A_33 = arith.constant 0 : index
    %swap3A_34 = vector.load %arg6[%swap3A, %swap3A_33] : memref<1024x128xf32, #tpu.memory_space<vmem>>, vector<1024x128xf32>
    tpu.vector_store %arg6[%swap3A, %swap3A_33], %mul3A_32 {strides = array<i32>} : memref<1024x128xf32, #tpu.memory_space<vmem>>, vector<1024x128xf32>,
    return
  }
  func.func @transform_0(%arg0: i32) -> (i32, i32, i32) {
    %c0_i32 = arith.constant 0 : i32
    %c0_i32_0 = arith.constant 0 : i32
    %c0_i32_1 = arith.constant 0 : i32
    return %c0_i32, %arg0, %c0_i32_0 : i32, i32, i32
  }
  func.func @transform_1(%arg0: i32) -> (i32, i32) {
    %c0_i32 = arith.constant 0 : i32
    %c0_i32_0 = arith.constant 0 : i32
    return %arg0, %c0_i32 : i32, i32
  }
  func.func @transform_2(%arg0: i32) -> (i32, i32) {
    %c0_i32 = arith.constant 0 : i32
    %c0_i32_0 = arith.constant 0 : i32
    return %arg0, %c0_i32 : i32, i32
  }
  func.func @transform_3(%arg0: i32) -> (i32, i32) {
    %c0_i32 = arith.constant 0 : i32
    %c0_i32_0 = arith.constant 0 : i32
    %c0_i32_1 = arith.constant 0 : i32
    return %c0_i32, %c0_i32_0 : i32, i32
  }
  func.func @transform_4(%arg0: i32) -> (i32, i32) {
    %c0_i32 = arith.constant 0 : i32
    %c0_i32_0 = arith.constant 0 : i32
    %c0_i32_1 = arith.constant 0 : i32
    return %c0_i32, %c0_i32_0 : i32, i32
  }
  func.func @transform_5(%arg0: i32) -> (i32, i32) {
    %c0_i32 = arith.constant 0 : i32
    %c0_i32_0 = arith.constant 0 : i32
    return %arg0, %c0_i32 : i32, i32
  }
}

module attributes {stable_mosaic.version = 14 : i64} {
  func.func @_fin_body(%arg0: i32, %arg1: memref<2x1024x128xf32, #tpu.memory_space<vmem>>, %arg2: memref<1024x128xf32, #tpu.memory_space<vmem>>, %arg3: memref<1024x1xf32, #tpu.memory_space<vmem>>, %arg4: memref<1x128xf32, #tpu.memory_space<vmem>>, %arg5: memref<1024x128xf32, #tpu.memory_space<vmem>>) attributes {dimension_semantics = [#tpu.dimension_semantics<arbitrary>], iteration_bounds = array<i64: 10>, scalar_prefetch = 0 : i64, scratch_operands = 0 : i64, tpu.core_type = #tpu.core_type<tc>, window_params = [{transform_indices = @transform_0, window_bounds = array<i64: 2, 1024, 128>}, {transform_indices = @transform_1, window_bounds = array<i64: 1024, 128>}, {transform_indices = @transform_2, window_bounds = array<i64: 1024, 1>}, {pipeline_mode = #tpu.pipeline_mode<synchronous>, transform_indices = @transform_3, window_bounds = array<i64: 1, 128>}, {transform_indices = @transform_4, window_bounds = array<i64: 1024, 128>}]} {
    %get3A = arith.constant 0 : index
    %get3A_0 = arith.constant 0 : index
    %get3A_1 = vector.load %arg3[%get3A, %get3A_0] : memref<1024x1xf32, #tpu.memory_space<vmem>>, vector<1024x1xf32>
    %get3A_2 = arith.constant 0 : index
    %get3A_3 = arith.constant 0 : index
    %get3A_4 = arith.constant 0 : index
    %get3A_5 = vector.load %arg1[%get3A_2, %get3A_3, %get3A_4] : memref<2x1024x128xf32, #tpu.memory_space<vmem>>, vector<1x1024x128xf32>
    %get3A_6 = vector.shape_cast %get3A_5 : vector<1x1024x128xf32> to vector<1024x128xf32>
    %get3A_7 = arith.constant 1 : index
    %get3A_8 = arith.constant 0 : index
    %get3A_9 = arith.constant 0 : index
    %get3A_10 = vector.load %arg1[%get3A_7, %get3A_8, %get3A_9] : memref<2x1024x128xf32, #tpu.memory_space<vmem>>, vector<1x1024x128xf32>
    %get3A_11 = vector.shape_cast %get3A_10 : vector<1x1024x128xf32> to vector<1024x128xf32>
    %add3A = arith.addf %get3A_6, %get3A_11 : vector<1024x128xf32>
    %get3A_12 = arith.constant 0 : index
    %get3A_13 = arith.constant 0 : index
    %get3A_14 = vector.load %arg2[%get3A_12, %get3A_13] : memref<1024x128xf32, #tpu.memory_space<vmem>>, vector<1024x128xf32>
    %add3A_15 = arith.addf %add3A, %get3A_14 : vector<1024x128xf32>
    %mul3A = vector.broadcast %get3A_1 : vector<1024x1xf32> to vector<1024x128xf32>
    %mul3A_16 = arith.mulf %mul3A, %add3A_15 : vector<1024x128xf32>
    %get3A_17 = arith.constant 0 : index
    %get3A_18 = arith.constant 0 : index
    %get3A_19 = vector.load %arg4[%get3A_17, %get3A_18] : memref<1x128xf32, #tpu.memory_space<vmem>>, vector<1x128xf32>
    %add3A_20 = vector.broadcast %get3A_19 : vector<1x128xf32> to vector<1024x128xf32>
    %add3A_21 = arith.addf %mul3A_16, %add3A_20 : vector<1024x128xf32>
    %swap3A = arith.constant 0 : index
    %swap3A_22 = arith.constant 0 : index
    %swap3A_23 = vector.load %arg5[%swap3A, %swap3A_22] : memref<1024x128xf32, #tpu.memory_space<vmem>>, vector<1024x128xf32>
    tpu.vector_store %arg5[%swap3A, %swap3A_22], %add3A_21 {strides = array<i32>} : memref<1024x128xf32, #tpu.memory_space<vmem>>, vector<1024x128xf32>,
    return
  }
  func.func @transform_0(%arg0: i32) -> (i32, i32, i32) {
    %c0_i32 = arith.constant 0 : i32
    %c0_i32_0 = arith.constant 0 : i32
    %c0_i32_1 = arith.constant 0 : i32
    return %c0_i32, %arg0, %c0_i32_0 : i32, i32, i32
  }
  func.func @transform_1(%arg0: i32) -> (i32, i32) {
    %c0_i32 = arith.constant 0 : i32
    %c0_i32_0 = arith.constant 0 : i32
    return %arg0, %c0_i32 : i32, i32
  }
  func.func @transform_2(%arg0: i32) -> (i32, i32) {
    %c0_i32 = arith.constant 0 : i32
    %c0_i32_0 = arith.constant 0 : i32
    return %arg0, %c0_i32 : i32, i32
  }
  func.func @transform_3(%arg0: i32) -> (i32, i32) {
    %c0_i32 = arith.constant 0 : i32
    %c0_i32_0 = arith.constant 0 : i32
    %c0_i32_1 = arith.constant 0 : i32
    return %c0_i32, %c0_i32_0 : i32, i32
  }
  func.func @transform_4(%arg0: i32) -> (i32, i32) {
    %c0_i32 = arith.constant 0 : i32
    %c0_i32_0 = arith.constant 0 : i32
    return %arg0, %c0_i32 : i32, i32
  }
}

</mosaic_0001>

<sc_bundles>
// kernel: kernel.12.cloned.1.call-start
scs
__scs_entry_jumppad:
0x0: {  	(pc) =	sbr.rel $0x88, $3  }
0x1: {  	(tag) =	ssettag $0x0;
	lr =	simm.s32 $0x1  }
0x2: {  	[smem:$0x3F9A] =	sst lr;
	_ =	strace $0xD0000000  }
0x3: {  	_ = 	snop  }
0x4: {  	_ = 	snop  }
0x5: {  	_ = 	snop  }
0x6: {  	_ = 	snop  }
0x7: {  	_ = 	snop  }
__scs_overlays_trampoline_lowered:
0x8: {  	[smem:$0x3FA9] =	sst s0  }
0x9: {  	[smem:$0x3FAA] =	sst s1  }
0xa: {  	[smem:$0x3FAB] =	sst s2  }
0xb: {  	[smem:$0x3FAC] =	sst s3  }
0xc: {  	[smem:$0x3FAD] =	sst s4  }
0xd: {  	[smem:$0x3FAE] =	sst s5  }
0xe: {  	[smem:$0x3FAF] =	sst s6  }
0xf: {  	[smem:$0x3FB0] =	sst s7  }
0x10: {  	[smem:$0x3FB1] =	sst s8  }
0x11: {  	[smem:$0x3FB2] =	sst s9;
	s0 =	simm.s32 @!p0 $0x0  }
0x12: {  	s1 =	sld [smem:$0x3F98];
	s0 =	simm.s32 @p0 $0x1  }
0x13: {  	[smem:$0x3FB3] =	sst s0;
	s0 =	simm.s32 @!p1 $0x0  }
0x14: {  	s2 =	sld [smem:$0x3F97];
	s0 =	simm.s32 @p1 $0x1  }
0x15: {  	[smem:$0x3FB4] =	sst s0;
	s0 =	simm.s32 @!p2 $0x0  }
0x16: {  	s3 =	sld [smem:$0x3FDB];
	s0 =	simm.s32 @p2 $0x1  }
0x17: {  	s4 =	simm.s32 $0x1BF5;
	[smem:$0x3FB6] =	sst s0  }
0x18: {  	s0 =	sld [smem:$0x3F99];
	_ =	swait.ge [sflag:s4], $0x0  }
0x19: {  	s7 =	sld [smem:$0x3F9A]  }
0x1a: {  	s8 =	sadd.s32 $0xFFFFE003, lr  }
0x1b: {  	s9 =	sadd.s32 $0xFFFFFEF7, lr;
	s5 =	simm.s32 $0xFFFFFFFF;
	p2 =	slt.u32 s8, $0xFFFFF086  }
0x1c: {  	p1 =	slt.u32 s9, $0xF7A;
	s5 =	simm.s32 @!p2 $0x0  }
0x1d: {  	s5 =	simm.s32 @p1 $0x1;
	p0 =	seq.s32 s7, s2  }
0x1e: {  	s7 =	smul.u32 @!p0 $0xF7A, s2;
	p2 =	seq.s32 @!p0 s5, $0x0  }
0x1f: {  	s9 =	smul.u32 $0xF7A, s1;
	s8 =	simm.s32 @!p0 $0x1BF5;
	p2 =	por !p2, p0  }
0x20: {  	[sflag:s8] =	ssyncset.s32 @!p0 $0xFFFFF086;
	s6 =	sadd.s32 @!p0 s3, s7;
	s7 =	simm.s32 @!p0 $0x108  }
0x21: {  	s3 =	sadd.s32 s3, s9;
	s6 =	sadd.s32 @!p0 $0x88, s6;
	s7 =	simm.s32 @p2 $0x1082  }
0x22: {  	[simem:s7], [sflag:s8] =	dma.local @!p0 [hbm:s6], $0xF7A  }
0x23: {  	s9 =	sor.u32 $0xD0000000, s2;
	s6 =	simm.s32 $0x108;
	_ =	swait.ge @!p0 [sflag:s8], $0x0  }
0x24: {  	s3 =	sadd.s32 $0x88, s3;
	s6 =	simm.s32 @!p1 $0x1082;
	[sflag:s4] =	ssyncset.s32 $0xFFFFF086  }
0x25: {  	[simem:s6], [sflag:s4] =	dma.local [hbm:s3], $0xF7A  }
0x26: {  	[smem:$0x3F9A] =	sst s1;
	(tag) =	ssettag s2;
	_ =	strace s9  }
0x27: {  	s1 =	sld [smem:$0x3FAA]  }
0x28: {  	s2 =	sld [smem:$0x3FAB]  }
0x29: {  	s4 =	sld [smem:$0x3FAD]  }
0x2a: {  	p0 =	seq.s32 s5, $0x0;
	s5 =	sld [smem:$0x3FAE]  }
0x2b: {  	s6 =	sld [smem:$0x3FAF]  }
0x2c: {  	s7 =	sld [smem:$0x3FB0]  }
0x2d: {  	s3 =	simm.s32 $0x108;
	s8 =	sld [smem:$0x3FB1]  }
0x2e: {  	s3 =	simm.s32 @!p0 $0x1082;
	s9 =	sld [smem:$0x3FB2]  }
0x2f: {  	lr =	sadd.s32 s0, s3;
	s0 =	sld [smem:$0x3FA9]  }
0x30: {  	s3 =	sld [smem:$0x3FAC]  }
0x31: {  	[smem:$0x3FB5] =	sst s10  }
0x32: {  	s10 =	sld [smem:$0x3FB3];
	_ =	sdelay $0x3  }
0x33: {  	p0 =	seq.s32 s10, $0x1;
	s10 =	sld [smem:$0x3FB5];
	_ =	sdelay $0x3  }
0x34: {  	[smem:$0x3FB5] =	sst s10  }
0x35: {  	s10 =	sld [smem:$0x3FB4];
	_ =	sdelay $0x3  }
0x36: {  	p1 =	seq.s32 s10, $0x1;
	s10 =	sld [smem:$0x3FB5];
	_ =	sdelay $0x3  }
0x37: {  	[smem:$0x3FB5] =	sst s10  }
0x38: {  	s10 =	sld [smem:$0x3FB6]  }
0x39: {  	_ = 	snop;
	(pc) =	sbr.ind lr, $3  }
0x3a: {  	_ = 	snop  }
0x3b: {  	_ = 	snop  }
0x3c: {  	p2 =	seq.s32 s10, $0x1;
	s10 =	sld [smem:$0x3FB5]  }
0x3d: {  	_ =	shalt  }
0x3e: {  	_ =	shalt  }
0x3f: {  	_ =	shalt  }
0x40: {  	_ =	shalt  }
0x41: {  	_ =	shalt  }
0x42: {  	_ =	shalt  }
0x43: {  	_ =	shalt  }
0x44: {  	_ =	shalt  }
0x45: {  	_ =	shalt  }
0x46: {  	_ =	shalt  }
0x47: {  	_ =	shalt  }
0x48: {  	_ =	shalt  }
0x49: {  	_ =	shalt  }
0x4a: {  	_ =	shalt  }
0x4b: {  	_ =	shalt  }
0x4c: {  	_ =	shalt  }
0x4d: {  	_ =	shalt  }
0x4e: {  	_ =	shalt  }
0x4f: {  	_ =	shalt  }
0x50: {  	_ =	shalt  }
0x51: {  	_ =	shalt  }
0x52: {  	_ =	shalt  }
0x53: {  	_ =	shalt  }
0x54: {  	_ =	shalt  }
0x55: {  	_ =	shalt  }
0x56: {  	_ =	shalt  }
0x57: {  	_ =	shalt  }
0x58: {  	_ =	shalt  }
0x59: {  	_ =	shalt  }
0x5a: {  	_ =	shalt  }
0x5b: {  	_ =	shalt  }
0x5c: {  	_ =	shalt  }
0x5d: {  	_ =	shalt  }
0x5e: {  	_ =	shalt  }
0x5f: {  	_ =	shalt  }
0x60: {  	_ =	shalt  }
0x61: {  	_ =	shalt  }
0x62: {  	_ =	shalt  }
0x63: {  	_ =	shalt  }
0x64: {  	_ =	shalt  }
0x65: {  	_ =	shalt  }
0x66: {  	_ =	shalt  }
0x67: {  	_ =	shalt  }
0x68: {  	_ =	shalt  }
0x69: {  	_ =	shalt  }
0x6a: {  	_ =	shalt  }
0x6b: {  	_ =	shalt  }
0x6c: {  	_ =	shalt  }
0x6d: {  	_ =	shalt  }
0x6e: {  	_ =	shalt  }
0x6f: {  	_ =	shalt  }
0x70: {  	_ =	shalt  }
0x71: {  	_ =	shalt  }
0x72: {  	_ =	shalt  }
0x73: {  	_ =	shalt  }
0x74: {  	_ =	shalt  }
0x75: {  	_ =	shalt  }
0x76: {  	_ =	shalt  }
0x77: {  	_ =	shalt  }
0x78: {  	_ =	shalt  }
0x79: {  	_ =	shalt  }
0x7a: {  	_ =	shalt  }
0x7b: {  	_ =	shalt  }
0x7c: {  	_ =	shalt  }
0x7d: {  	_ =	shalt  }
0x7e: {  	_ =	shalt  }
0x7f: {  	_ =	shalt  }
0x80: {  	_ =	shalt  }
0x81: {  	_ =	shalt  }
0x82: {  	_ =	shalt  }
0x83: {  	_ =	shalt  }
0x84: {  	_ =	shalt  }
0x85: {  	_ =	shalt  }
0x86: {  	_ =	shalt  }
0x87: {  	_ =	shalt  }
.Lfunc_end0:
.L_simem_size_0:
called_computation.1_lowered:
.L_overlay_start_0:
0x88: {  	s2 =	sld [smem:$0x3FD9]  }
0x89: {  	s3 =	sld [smem:$0x3FFE];
	_ =	sdelay $0x1  }
0x8a: {  	s1 =	srdreg.scid  }
0x8b: {  	s0 =	sand.u32 $0x1, s1  }
0x8c: {  	s17 =	sshll.u32 s0, $0xA;
	s2 =	sadd.s32 s3, s2  }
0x8d: {  	s2 =	sadd.s32 s2, s17  }
0x8e: {  	[smem:$0x3FC1] =	sst s2  }
0x8f: {  	_ = 	snop  }
0x90: {  	s2 =	sld [smem:$0x3FC7]  }
0x91: {  	s18 =	sld [smem:$0x3FD0];
	(tm) =	ssettm $0x1  }
0x92: {  	s4 =	sld [smem:$0x3FFB];
	_ =	sdelay $0x3  }
0x93: {  	_ =	strace s4  }
0x94: {  	s4 =	sld [smem:$0x3FFC];
	_ =	sdelay $0x3  }
0x95: {  	_ =	strace s4  }
0x96: {  	s4 =	sld [smem:$0x3FFD];
	_ =	sdelay $0x3  }
0x97: {  	_ =	strace s4  }
0x98: {  	_ =	strace $0x8FFFFFFF  }
0x99: {  	s19 =	sld [smem:$0x3FDB];
	_ =	sdelay $0x1  }
0x9a: {  	s5 =	simm.s32 $_scs_section_size  }
0x9b: {  	s6 =	simm.s32 $_size__tile_overlayer_lowered;
	s7 =	simm.s32 $_tile_overlayer_lowered  }
0x9c: {  	s22 =	simm.s32 $0x1BFF;
	s21 =	sshll.u32 s7, $0x1;
	s4 =	sadd.s32 s5, s19  }
0x9d: {  	s8 =	simm.s32 $0x0;
	s20 =	sshll.u32 s6, $0x1;
	s6 =	sadd.s32 s21, s4  }
0x9e: {  	[timem:s8], [sflag:s22] =	dma.local [hbm:s6], s20  }
0x9f: {  	_ =	swait.ge [sflag:s22], s20  }
0xa0: {  	s5 =	ssub.s32 $0x0, s20;
	[sflag:s22] =	ssyncset.done $0x0  }
0xa1: {  	[sflag:s22] =	ssyncadd.s32 s5;
	_ =	sdelay $0x1  }
0xa2: {  	s23 =	simm.s32 $0x1B8B  }
0xa3: {  	_ =	swait.ge [sflag:s23], $0x1  }
0xa4: {  	[sflag:s23] =	ssyncset.done $0x0  }
0xa5: {  	s25 =	simm.s32 $0x1B8E;
	s24 =	sld [smem:$0x3FFE];
	[sflag:s23] =	ssyncadd.s32 $0xFFFFFFFF  }
0xa6: {  	s26 =	simm.s32 $execute0_lowered;
	[smem:$0x3FD2] =	sst s25  }
0xa7: {  	s6 =	sshll.u32 s26, $0x1;
	_ =	strace $0x80000049;
	[dreg:$0x1] =	wrdreg $0xFFFFFFFF  }
0xa8: {  	s28 =	simm.s32 $_size_execute0_lowered;
	s4 =	sadd.s32 s4, s6;
	[dreg:$0x0] =	wrdreg $0x0  }
0xa9: {  	s6 =	sshll.u32 s28, $0x1;
	[dreg:$0x2] =	wrdreg s4  }
0xaa: {  	[dreg:$0x3] =	wrdreg s6  }
0xab: {  	[dreg:$0x4] =	wrdreg $0xC0  }
0xac: {  	_ =	task [dreg:s8], $0x5FFFF  }
0xad: {  	[dreg:$0x1] =	wrdreg $0xFFFFFFFF  }
0xae: {  	[dreg:$0x0] =	wrdreg $0x60  }
0xaf: {  	[dreg:$0x2] =	wrdreg s24  }
0xb0: {  	[dreg:$0x3] =	wrdreg s18  }
0xb1: {  	[dreg:$0x4] =	wrdreg s2  }
0xb2: {  	[dreg:$0x5] =	wrdreg $0x0  }
0xb3: {  	[dreg:$0x6] =	wrdreg $0x9  }
0xb4: {  	_ =	task.clear_ibuf [dreg:s8], $0x7FFFF;
	_ =	strace $0x90000049  }
0xb5: {  	s29 =	simm.s32 $0x9;
	_ =	strace $0x8000004B  }
0xb6: {  	_ =	swait.ge [sflag:s29], $0x1  }
0xb7: {  	[sflag:s29] =	ssyncadd.s32 $0xFFFFFFFF  }
0xb8: {  	_ =	strace $0x9000004B  }
0xb9: {  	_ =	sfence  }
0xba: {  	s30 =	sld [smem:$0x0];
	_ =	sdelay $0x2  }
0xbb: {  	s31 =	sshll.u32 s1, $0xD;
	s1 =	sshrl.u32 s1, $0x2  }
0xbc: {  	s3 =	sand.u32 $0x4000, s31;
	s1 =	sadd.s32 s1, s30  }
0xbd: {  	s0 =	sor.u32 s3, s0;
	s1 =	sshll.u32 s1, $0x11  }
0xbe: {  	s0 =	sor.u32 s1, s0  }
0xbf: {  	s0 =	sadd.s32 $0x8F2B, s0  }
0xc0: {  	[sflag:s0] =	ssyncadd.remote.s32 $0x1  }
0xc1: {  	_ =	sfence.sel $0xFFFF  }
0xc2: {  	[dreg:$0x0] =	wrdreg $0xFFFFFFFF;
	(pc) =	sbr.abs _section_cstart, $3  }
0xc3: {  	[dreg:$0x1] =	wrdreg $0xFFFFFFFF  }
0xc4: {  	_ =	task.clear_ibuf [dreg:s8], $0x2FFFF;
	_ =	strace $0x9FFFFFFF  }
0xc5: {  	(tm) =	ssettm $0x7FFFFFFF  }
tec
execute0_lowered:
.L_overlay_start_1:
0x0: {  	(tag) =	ssettag $0x1  }
0x1: {  	s8 =	rddreg [dreg:$0x0]  }
0x2: {  	s1 =	rddreg [dreg:$0x1]  }
0x3: {  	s2 =	rddreg [dreg:$0x2]  }
0x4: {  	s3 =	rddreg [dreg:$0x3]  }
0x5: {  	s0 =	rddreg [dreg:$0x4];
	s4 =	simm.s32 $0x0;
	s5 =	srdreg.scid  }
0x6: {  	s15 =	simm.s32 $0x2;
	s16 =	simm.s32 $0x1A400;
	s17 =	simm.s32 $0x1A500  }
0x7: {  	s18 =	simm.s32 $0x1A600;
	s19 =	simm.s32 $0xC8;
	[smem:$0x7FF] =	sst s4  }
0x8: {  	s9 =	sand.u32 $0x1, s5;
	s5 =	stileid.u32;
	s6 =	sadd.s32 $0xBC00, s8  }
0x9: {  	s7 =	sadd.s32 $0x1E00, s8;
	s10 =	smul.u32 $0x28000, s9;
	_ =	strace $0x8000004A  }
0xa: {  	s11 =	smul.u32 $0x50000, s5;
	s12 =	ssub.s32 $0x2, s9;
	s9 =	sshll.u32 s9, $0x4  }
0xb: {  	s21 =	smul.u32 $0x2800, s5;
	s22 =	sshll.u32 s5, $0x6;
	s29 =	sshrl.u32 s12, $0x1  }
0xc: {  	s31 =	sor.u32 s5, s9;
	s22 =	sor.u32 $0x1C02, s22;
	s13 =	sadd.s32 s10, s8  }
0xd: {  	s30 =	sshrl.u32 s11, $0x2;
	s14 =	ssub.s32 s12, s29;
	s12 =	smul.u32 $0x2710, s31  }
0xe: {  	s8 =	sadd.s32 s30, s3;
	s20 =	sadd.s32 $0x33C00, s13;
	s13 =	smax.u32 s14, $0x1  }
0xf: {  	s14 =	simm.s32 $0x14000;
	s9 =	sadd.s32 $0x6400, s8;
	s10 =	sadd.s32 $0xC800, s8  }
0x10: {  	v0 =	vimm.f32 $0.0e+00;
	s11 =	sadd.s32 $0x12C00, s8;
	s20 =	sadd.s32 s21, s20;
	s21 =	simm.s32 $0x1  }
.LBB2_1:
0x11: {  	s23 =	simm.s32 $0x0;
	s24 =	simm.s32 $0x200  }
.LBB2_2:
0x12: {  	p0 =	sne.s32 s24, $0x18E00;
	[tilespmem:s23+$0x14070] =	vst v0  }
0x13: {  	[tilespmem:s23+$0x14000] =	vst v0  }
0x14: {  	[tilespmem:s23+$0x14010] =	vst v0  }
.Ltmp0:
0x15: {  	[tilespmem:s23+$0x14020] =	vst v0;
	(pc) =	sbr.rel @p0 .LBB2_2-.Ltmp0, $4  }
0x16: {  	[tilespmem:s23+$0x14030] =	vst v0  }
0x17: {  	[tilespmem:s23+$0x14040] =	vst v0  }
0x18: {  	[tilespmem:s23+$0x14050] =	vst v0  }
0x19: {  	[tilespmem:s23+$0x14060] =	vst v0;
	s23 =	sshra.s32 s24, $0x2;
	s24 =	sadd.s32 $0x200, s24  }
0x1a: {  	[tilespmem:s23+$0x14070] =	vst v0  }
0x1b: {  	[tilespmem:s23+$0x14000] =	vst v0  }
0x1c: {  	[tilespmem:s23+$0x14010] =	vst v0  }
0x1d: {  	[tilespmem:s23+$0x14020] =	vst v0  }
0x1e: {  	[tilespmem:s23+$0x14030] =	vst v0  }
0x1f: {  	[tilespmem:s23+$0x14040] =	vst v0  }
0x20: {  	[tilespmem:s23+$0x14050] =	vst v0  }
0x21: {  	[tilespmem:s23+$0x14060] =	vst v0  }
0x22: {  	[spmem:s8] =	stream.linear.scatter [tilespmem:s14], [sflag:$0x2], $0x6400, $0x38;
	[tilespmem:$0x1A700] =	vst v63  }
0x23: {  	_ =	swait.ge [sflag:s15], $0x6400  }
0x24: {  	[sflag:s15] =	ssyncset.done $0x0  }
0x25: {  	[sflag:s15] =	ssyncadd.s32 $0xFFFF9C00  }
0x26: {  	[spmem:s9] =	stream.linear.scatter [tilespmem:s14], [sflag:$0x2], $0x6400, $0x38;
	[tilespmem:$0x1A700] =	vst v63  }
0x27: {  	_ =	swait.ge [sflag:s15], $0x6400  }
0x28: {  	[sflag:s15] =	ssyncset.done $0x0  }
0x29: {  	[sflag:s15] =	ssyncadd.s32 $0xFFFF9C00  }
0x2a: {  	[spmem:s10] =	stream.linear.scatter [tilespmem:s14], [sflag:$0x2], $0x6400, $0x38;
	[tilespmem:$0x1A700] =	vst v63  }
0x2b: {  	_ =	swait.ge [sflag:s15], $0x6400  }
0x2c: {  	[sflag:s15] =	ssyncset.done $0x0  }
0x2d: {  	[sflag:s15] =	ssyncadd.s32 $0xFFFF9C00  }
0x2e: {  	[spmem:s11] =	stream.linear.scatter [tilespmem:s14], [sflag:$0x2], $0x1400, $0x38;
	[tilespmem:$0x1A700] =	vst v63  }
0x2f: {  	_ =	swait.ge [sflag:s15], $0x1400  }
0x30: {  	[sflag:s15] =	ssyncset.done $0x0  }
0x31: {  	[sflag:s15] =	ssyncadd.s32 $0xFFFFEC00  }
0x32: {  	s23 =	simm.s32 $0x0;
	s24 =	simm.s32 $0x0;
	[bflag:$0x0] =	sbarrier.arrive $0xFFFF  }
.LBB2_4:
0x33: {  	s25 =	smul.u32 $0xC8, s24;
	_ =	sdelay $0x1  }
0x34: {  	s25 =	sadd.s32 s12, s25  }
0x35: {  	s25 =	sshrl.u32 s25, $0x3  }
0x36: {  	s26 =	sadd.s32 s1, s25  }
0x37: {  	[tilespmem:s16], [sflag:$0x2] =	stream.linear.gather [hbm4b:s26+s23], $0xC8, $0x38;
	[tilespmem:$0x1A700] =	vst v63  }
0x38: {  	_ =	swait.ge [sflag:s15], $0xC8  }
0x39: {  	[sflag:s15] =	ssyncset.done $0x0  }
0x3a: {  	s31 =	sadd.s32 s7, s25;
	[sflag:s15] =	ssyncadd.s32 $0xFFFFFF38  }
0x3b: {  	[tilespmem:s17], [sflag:$0x2] =	stream.linear.gather [hbm4b:s31+s23], $0xC8, $0x38;
	[tilespmem:$0x1A700] =	vst v63  }
0x3c: {  	_ =	swait.ge [sflag:s15], $0xC8  }
0x3d: {  	[sflag:s15] =	ssyncset.done $0x0  }
0x3e: {  	s25 =	sadd.s32 s2, s25;
	[sflag:s15] =	ssyncadd.s32 $0xFFFFFF38  }
0x3f: {  	[tilespmem:s18], [sflag:$0x2] =	stream.linear.gather [hbm4b:s25+s23], $0xC8, $0x38;
	[tilespmem:$0x1A700] =	vst v63  }
0x40: {  	_ =	swait.ge [sflag:s15], $0xC8  }
0x41: {  	[sflag:s15] =	ssyncset.done $0x0  }
0x42: {  	[sflag:s15] =	ssyncadd.s32 $0xFFFFFF38  }
0x43: {  	[tilespmem:s14], [sflag:$0x1] =	stream.indirect.gather [hbm4b:s6+s19], $0x80, s16, s19, $0xb8;
	[tilespmem:$0x1A700] =	vst v63  }
0x44: {  	_ =	swait.ge [sflag:s21], $0x6400  }
0x45: {  	v1 =	vmov s23;
	[sflag:s21] =	ssyncset.done $0x0  }
0x46: {  	s25 =	simm.s32 $0x14040;
	[sflag:s21] =	ssyncadd.s32 $0xFFFF9C00  }
0x47: {  	v5 =	vld [tilespmem:s25+$0x30]  }
0x48: {  	v8 =	vld [tilespmem:s25+$0x10]  }
0x49: {  	v6 =	vld [tilespmem:s25+$0xFFFFFFC0]  }
0x4a: {  	v2 =	vld.idx.msk [tilespmem:v1+s18+$0x0], $0xffff  }
0x4b: {  	v10 =	vld [tilespmem:s25+$0xFFFFFFE0]  }
0x4c: {  	v1 =	vld [tilespmem:s25+$0xFFFFFFF0]  }
0x4d: {  	v3 =	vld [tilespmem:s25+$0x20]  }
0x4e: {  	v4 =	vld [tilespmem:s25+$0xFFFFFFD0]  }
0x4f: {  	v9 =	vmul.f32 v5, v2;
	v5 =	vld [tilespmem:s25+$0x0]  }
0x50: {  	v7 =	vmul.f32 v6, v2  }
0x51: {  	s28 =	simm.s32 $0x14040;
	s26 =	simm.s32 $0x1;
	v6 =	vmul.f32 v10, v2;
	v8 =	vmul.f32 v8, v2  }
.LBB2_5:
0x52: {  	p0 =	sne.s32 s26, $0xC7  }
0x53: {  	v4 =	vmul.f32 v4, v2;
	v3 =	vmul.f32 v3, v2;
	[tilespmem:s25+$0x30] =	vst v9;
	s28 =	sadd.s32 $0x80, s28;
	s29 =	smov.u32 s26;
	s26 =	sadd.s32 $0x1, s26  }
0x54: {  	[tilespmem:s25+$0xFFFFFFC0] =	vst v7;
	v7 =	vmul.f32 v1, v2;
	v2 =	vmul.f32 v5, v2  }
0x55: {  	[tilespmem:s25+$0x10] =	vst v8  }
0x56: {  	v5 =	vmov s29;
	[tilespmem:s25+$0xFFFFFFE0] =	vst v6  }
0x57: {  	v1 =	vld [tilespmem:s28+$0xFFFFFFF0];
	[tilespmem:s25+$0xFFFFFFF0] =	vst v7  }
0x58: {  	v6 =	vld [tilespmem:s28+$0x30];
	[tilespmem:s25+$0x0] =	vst v2  }
0x59: {  	v8 =	vld [tilespmem:s28+$0x10];
	[tilespmem:s25+$0x20] =	vst v3  }
0x5a: {  	v7 =	vld [tilespmem:s28+$0xFFFFFFC0];
	[tilespmem:s25+$0xFFFFFFD0] =	vst v4;
	s25 =	smov.u32 s28  }
0x5b: {  	v2 =	vld.idx.msk [tilespmem:v5+s18+$0x0], $0xffff  }
0x5c: {  	v10 =	vld [tilespmem:s28+$0xFFFFFFE0]  }
0x5d: {  	v3 =	vld [tilespmem:s28+$0x20]  }
.Ltmp1:
0x5e: {  	v4 =	vld [tilespmem:s28+$0xFFFFFFD0];
	(pc) =	sbr.rel @p0 .LBB2_5-.Ltmp1, $3  }
0x5f: {  	v5 =	vld [tilespmem:s28+$0x0];
	_ =	sdelay $0x1  }
0x60: {  	v7 =	vmul.f32 v7, v2;
	v9 =	vmul.f32 v6, v2  }
0x61: {  	v8 =	vmul.f32 v8, v2;
	v6 =	vmul.f32 v10, v2  }
0x62: {  	[tilespmem:s25+$0x30] =	vst v9  }
0x63: {  	[tilespmem:s25+$0xFFFFFFC0] =	vst v7  }
0x64: {  	v1 =	vmul.f32 v1, v2;
	[tilespmem:s25+$0x10] =	vst v8  }
0x65: {  	v3 =	vmul.f32 v3, v2;
	[tilespmem:s25+$0xFFFFFFE0] =	vst v6  }
0x66: {  	v5 =	vmul.f32 v5, v2;
	[tilespmem:s25+$0xFFFFFFF0] =	vst v1  }
0x67: {  	s24 =	sadd.s32 $0x1, s24;
	v1 =	vmul.f32 v4, v2;
	[tilespmem:s25+$0x20] =	vst v3  }
0x68: {  	p0 =	sne.s32 s24, $0x32;
	[tilespmem:s25+$0x0] =	vst v5  }
.Ltmp2:
0x69: {  	[tilespmem:s25+$0xFFFFFFD0] =	vst v1;
	(pc) =	sbr.rel @p0 .LBB2_4-.Ltmp2, $4  }
0x6a: {  	[spmem:s3] =	stream.indirect.scatter.add.f32 [tilespmem:s14], [sflag:$0x1], $0x80, s17, s19, $0xb8;
	[tilespmem:$0x1A700] =	vst v63  }
0x6b: {  	_ =	swait.ge [sflag:s21], $0x6400  }
0x6c: {  	[sflag:s21] =	ssyncset.done $0x0  }
0x6d: {  	[sflag:s21] =	ssyncadd.s32 $0xFFFF9C00  }
0x6e: {  	s4 =	sadd.s32 $0x1, s4  }
0x6f: {  	p0 =	sne.s32 s4, s13  }
.Ltmp3:
0x70: {  	[bflag:$0x0] =	sbarrier.arrive $0xFFFF;
	s23 =	sshrl.u32 s8, $0x3;
	(pc) =	sbr.rel @p0 .LBB2_1-.Ltmp3, $4  }
0x71: {  	[hbm:s20], [sflag:s22] =	dma.local [spmem:s23], $0x2800  }
0x72: {  	_ =	swait.ge [sflag:s15], $0x2800  }
0x73: {  	[sflag:s15] =	ssyncset.done $0x0  }
0x74: {  	[sflag:s15] =	ssyncadd.s32 $0xFFFFD800  }
0x75: {  	_ =	sfence.sel $0x180000  }
0x76: {  	[bflag:$0x0] =	sbarrier.arrive $0xFFFF  }
0x77: {  	p0 =	sne.s32 s5, $0x0;
	_ =	strace $0x9000004A  }
0x78: {  	s0 =	sadd.s32 @!p0 $0x100000, s0;
	[bflag:$0x2] =	sbarrier.arrive $0xFFFF  }
0x79: {  	[sflag:s0] =	ssyncadd.tile.s32 @!p0 $0x1;
	_ =	shalt  }
.Lfunc_end2:
_tile_overlayer_lowered:
.L_overlay_start_2:
0x7a: {  	(tag) =	ssettag $0x2  }
0x7b: {  	s0 =	rddreg [dreg:$0x0];
	s2 =	stileid.u32  }
0x7c: {  	s1 =	rddreg [dreg:$0x1];
	p0 =	sne.s32 s2, $0x0  }
0x7d: {  	s3 =	rddreg [dreg:$0x2];
	[bflag:$0x3] =	sbarrier.arrive $0xFFFF;
	s2 =	simm.s32 @!p0 $0x1C02  }
0x7e: {  	[timem:s3], [sflag:s2] =	dma.local @!p0 [hbm:s0], s1  }
0x7f: {  	s0 =	simm.s32 @!p0 $0x2  }
0x80: {  	_ =	swait.ge @!p0 [sflag:s0], s1  }
0x81: {  	s1 =	ssub.s32 @!p0 $0x0, s1;
	[sflag:s0] =	ssyncset.done @!p0 $0x0  }
0x82: {  	[sflag:s0] =	ssyncadd.s32 @!p0 s1  }
0x83: {  	[bflag:$0x3] =	sbarrier.arrive $0xFFFF  }
0x84: {  	_ =	shalt  }

// kernel: kernel.15.cloned.1.call-start
scs
__scs_entry_jumppad:
0x0: {  	(pc) =	sbr.rel $0x88, $3  }
0x1: {  	(tag) =	ssettag $0x0;
	lr =	simm.s32 $0x1  }
0x2: {  	[smem:$0x3F9A] =	sst lr;
	_ =	strace $0xD0000000  }
0x3: {  	_ = 	snop  }
0x4: {  	_ = 	snop  }
0x5: {  	_ = 	snop  }
0x6: {  	_ = 	snop  }
0x7: {  	_ = 	snop  }
__scs_overlays_trampoline_lowered:
0x8: {  	[smem:$0x3FA9] =	sst s0  }
0x9: {  	[smem:$0x3FAA] =	sst s1  }
0xa: {  	[smem:$0x3FAB] =	sst s2  }
0xb: {  	[smem:$0x3FAC] =	sst s3  }
0xc: {  	[smem:$0x3FAD] =	sst s4  }
0xd: {  	[smem:$0x3FAE] =	sst s5  }
0xe: {  	[smem:$0x3FAF] =	sst s6  }
0xf: {  	[smem:$0x3FB0] =	sst s7  }
0x10: {  	[smem:$0x3FB1] =	sst s8  }
0x11: {  	[smem:$0x3FB2] =	sst s9;
	s0 =	simm.s32 @!p0 $0x0  }
0x12: {  	s1 =	sld [smem:$0x3F98];
	s0 =	simm.s32 @p0 $0x1  }
0x13: {  	[smem:$0x3FB3] =	sst s0;
	s0 =	simm.s32 @!p1 $0x0  }
0x14: {  	s2 =	sld [smem:$0x3F97];
	s0 =	simm.s32 @p1 $0x1  }
0x15: {  	[smem:$0x3FB4] =	sst s0;
	s0 =	simm.s32 @!p2 $0x0  }
0x16: {  	s3 =	sld [smem:$0x3FDB];
	s0 =	simm.s32 @p2 $0x1  }
0x17: {  	s4 =	simm.s32 $0x1BF5;
	[smem:$0x3FB6] =	sst s0  }
0x18: {  	s0 =	sld [smem:$0x3F99];
	_ =	swait.ge [sflag:s4], $0x0  }
0x19: {  	s7 =	sld [smem:$0x3F9A]  }
0x1a: {  	s8 =	sadd.s32 $0xFFFFE003, lr  }
0x1b: {  	s9 =	sadd.s32 $0xFFFFFEF7, lr;
	s5 =	simm.s32 $0xFFFFFFFF;
	p2 =	slt.u32 s8, $0xFFFFF086  }
0x1c: {  	p1 =	slt.u32 s9, $0xF7A;
	s5 =	simm.s32 @!p2 $0x0  }
0x1d: {  	s5 =	simm.s32 @p1 $0x1;
	p0 =	seq.s32 s7, s2  }
0x1e: {  	s7 =	smul.u32 @!p0 $0xF7A, s2;
	p2 =	seq.s32 @!p0 s5, $0x0  }
0x1f: {  	s9 =	smul.u32 $0xF7A, s1;
	s8 =	simm.s32 @!p0 $0x1BF5;
	p2 =	por !p2, p0  }
0x20: {  	[sflag:s8] =	ssyncset.s32 @!p0 $0xFFFFF086;
	s6 =	sadd.s32 @!p0 s3, s7;
	s7 =	simm.s32 @!p0 $0x108  }
0x21: {  	s3 =	sadd.s32 s3, s9;
	s6 =	sadd.s32 @!p0 $0x88, s6;
	s7 =	simm.s32 @p2 $0x1082  }
0x22: {  	[simem:s7], [sflag:s8] =	dma.local @!p0 [hbm:s6], $0xF7A  }
0x23: {  	s9 =	sor.u32 $0xD0000000, s2;
	s6 =	simm.s32 $0x108;
	_ =	swait.ge @!p0 [sflag:s8], $0x0  }
0x24: {  	s3 =	sadd.s32 $0x88, s3;
	s6 =	simm.s32 @!p1 $0x1082;
	[sflag:s4] =	ssyncset.s32 $0xFFFFF086  }
0x25: {  	[simem:s6], [sflag:s4] =	dma.local [hbm:s3], $0xF7A  }
0x26: {  	[smem:$0x3F9A] =	sst s1;
	(tag) =	ssettag s2;
	_ =	strace s9  }
0x27: {  	s1 =	sld [smem:$0x3FAA]  }
0x28: {  	s2 =	sld [smem:$0x3FAB]  }
0x29: {  	s4 =	sld [smem:$0x3FAD]  }
0x2a: {  	p0 =	seq.s32 s5, $0x0;
	s5 =	sld [smem:$0x3FAE]  }
0x2b: {  	s6 =	sld [smem:$0x3FAF]  }
0x2c: {  	s7 =	sld [smem:$0x3FB0]  }
0x2d: {  	s3 =	simm.s32 $0x108;
	s8 =	sld [smem:$0x3FB1]  }
0x2e: {  	s3 =	simm.s32 @!p0 $0x1082;
	s9 =	sld [smem:$0x3FB2]  }
0x2f: {  	lr =	sadd.s32 s0, s3;
	s0 =	sld [smem:$0x3FA9]  }
0x30: {  	s3 =	sld [smem:$0x3FAC]  }
0x31: {  	[smem:$0x3FB5] =	sst s10  }
0x32: {  	s10 =	sld [smem:$0x3FB3];
	_ =	sdelay $0x3  }
0x33: {  	p0 =	seq.s32 s10, $0x1;
	s10 =	sld [smem:$0x3FB5];
	_ =	sdelay $0x3  }
0x34: {  	[smem:$0x3FB5] =	sst s10  }
0x35: {  	s10 =	sld [smem:$0x3FB4];
	_ =	sdelay $0x3  }
0x36: {  	p1 =	seq.s32 s10, $0x1;
	s10 =	sld [smem:$0x3FB5];
	_ =	sdelay $0x3  }
0x37: {  	[smem:$0x3FB5] =	sst s10  }
0x38: {  	s10 =	sld [smem:$0x3FB6]  }
0x39: {  	_ = 	snop;
	(pc) =	sbr.ind lr, $3  }
0x3a: {  	_ = 	snop  }
0x3b: {  	_ = 	snop  }
0x3c: {  	p2 =	seq.s32 s10, $0x1;
	s10 =	sld [smem:$0x3FB5]  }
0x3d: {  	_ =	shalt  }
0x3e: {  	_ =	shalt  }
0x3f: {  	_ =	shalt  }
0x40: {  	_ =	shalt  }
0x41: {  	_ =	shalt  }
0x42: {  	_ =	shalt  }
0x43: {  	_ =	shalt  }
0x44: {  	_ =	shalt  }
0x45: {  	_ =	shalt  }
0x46: {  	_ =	shalt  }
0x47: {  	_ =	shalt  }
0x48: {  	_ =	shalt  }
0x49: {  	_ =	shalt  }
0x4a: {  	_ =	shalt  }
0x4b: {  	_ =	shalt  }
0x4c: {  	_ =	shalt  }
0x4d: {  	_ =	shalt  }
0x4e: {  	_ =	shalt  }
0x4f: {  	_ =	shalt  }
0x50: {  	_ =	shalt  }
0x51: {  	_ =	shalt  }
0x52: {  	_ =	shalt  }
0x53: {  	_ =	shalt  }
0x54: {  	_ =	shalt  }
0x55: {  	_ =	shalt  }
0x56: {  	_ =	shalt  }
0x57: {  	_ =	shalt  }
0x58: {  	_ =	shalt  }
0x59: {  	_ =	shalt  }
0x5a: {  	_ =	shalt  }
0x5b: {  	_ =	shalt  }
0x5c: {  	_ =	shalt  }
0x5d: {  	_ =	shalt  }
0x5e: {  	_ =	shalt  }
0x5f: {  	_ =	shalt  }
0x60: {  	_ =	shalt  }
0x61: {  	_ =	shalt  }
0x62: {  	_ =	shalt  }
0x63: {  	_ =	shalt  }
0x64: {  	_ =	shalt  }
0x65: {  	_ =	shalt  }
0x66: {  	_ =	shalt  }
0x67: {  	_ =	shalt  }
0x68: {  	_ =	shalt  }
0x69: {  	_ =	shalt  }
0x6a: {  	_ =	shalt  }
0x6b: {  	_ =	shalt  }
0x6c: {  	_ =	shalt  }
0x6d: {  	_ =	shalt  }
0x6e: {  	_ =	shalt  }
0x6f: {  	_ =	shalt  }
0x70: {  	_ =	shalt  }
0x71: {  	_ =	shalt  }
0x72: {  	_ =	shalt  }
0x73: {  	_ =	shalt  }
0x74: {  	_ =	shalt  }
0x75: {  	_ =	shalt  }
0x76: {  	_ =	shalt  }
0x77: {  	_ =	shalt  }
0x78: {  	_ =	shalt  }
0x79: {  	_ =	shalt  }
0x7a: {  	_ =	shalt  }
0x7b: {  	_ =	shalt  }
0x7c: {  	_ =	shalt  }
0x7d: {  	_ =	shalt  }
0x7e: {  	_ =	shalt  }
0x7f: {  	_ =	shalt  }
0x80: {  	_ =	shalt  }
0x81: {  	_ =	shalt  }
0x82: {  	_ =	shalt  }
0x83: {  	_ =	shalt  }
0x84: {  	_ =	shalt  }
0x85: {  	_ =	shalt  }
0x86: {  	_ =	shalt  }
0x87: {  	_ =	shalt  }
.Lfunc_end0:
.L_simem_size_0:
called_computation.2_lowered:
.L_overlay_start_0:
0x88: {  	s2 =	sld [smem:$0x3FD9]  }
0x89: {  	s3 =	sld [smem:$0x3FFE];
	_ =	sdelay $0x1  }
0x8a: {  	s1 =	srdreg.scid  }
0x8b: {  	s0 =	sand.u32 $0x1, s1  }
0x8c: {  	s17 =	sshll.u32 s0, $0xA;
	s2 =	sadd.s32 s3, s2  }
0x8d: {  	s2 =	sadd.s32 s2, s17  }
0x8e: {  	[smem:$0x3FC1] =	sst s2  }
0x8f: {  	_ = 	snop  }
0x90: {  	s2 =	sld [smem:$0x3FC7]  }
0x91: {  	s18 =	sld [smem:$0x3FD0];
	(tm) =	ssettm $0x1  }
0x92: {  	s4 =	sld [smem:$0x3FFB];
	_ =	sdelay $0x3  }
0x93: {  	_ =	strace s4  }
0x94: {  	s4 =	sld [smem:$0x3FFC];
	_ =	sdelay $0x3  }
0x95: {  	_ =	strace s4  }
0x96: {  	s4 =	sld [smem:$0x3FFD];
	_ =	sdelay $0x3  }
0x97: {  	_ =	strace s4  }
0x98: {  	_ =	strace $0x8FFFFFFF  }
0x99: {  	s19 =	sld [smem:$0x3FDB];
	_ =	sdelay $0x1  }
0x9a: {  	s5 =	simm.s32 $_scs_section_size  }
0x9b: {  	s6 =	simm.s32 $_size__tile_overlayer_lowered;
	s7 =	simm.s32 $_tile_overlayer_lowered  }
0x9c: {  	s22 =	simm.s32 $0x1BFF;
	s21 =	sshll.u32 s7, $0x1;
	s4 =	sadd.s32 s5, s19  }
0x9d: {  	s8 =	simm.s32 $0x0;
	s20 =	sshll.u32 s6, $0x1;
	s6 =	sadd.s32 s21, s4  }
0x9e: {  	[timem:s8], [sflag:s22] =	dma.local [hbm:s6], s20  }
0x9f: {  	_ =	swait.ge [sflag:s22], s20  }
0xa0: {  	s5 =	ssub.s32 $0x0, s20;
	[sflag:s22] =	ssyncset.done $0x0  }
0xa1: {  	[sflag:s22] =	ssyncadd.s32 s5;
	_ =	sdelay $0x1  }
0xa2: {  	s23 =	simm.s32 $0x1B8B  }
0xa3: {  	_ =	swait.ge [sflag:s23], $0x1  }
0xa4: {  	[sflag:s23] =	ssyncset.done $0x0  }
0xa5: {  	s25 =	simm.s32 $0x1B8E;
	s24 =	sld [smem:$0x3FFE];
	[sflag:s23] =	ssyncadd.s32 $0xFFFFFFFF  }
0xa6: {  	s26 =	simm.s32 $execute0_lowered;
	[smem:$0x3FD2] =	sst s25  }
0xa7: {  	s6 =	sshll.u32 s26, $0x1;
	_ =	strace $0x8000004C;
	[dreg:$0x1] =	wrdreg $0xFFFFFFFF  }
0xa8: {  	s28 =	simm.s32 $_size_execute0_lowered;
	s4 =	sadd.s32 s4, s6;
	[dreg:$0x0] =	wrdreg $0x0  }
0xa9: {  	s6 =	sshll.u32 s28, $0x1;
	[dreg:$0x2] =	wrdreg s4  }
0xaa: {  	[dreg:$0x3] =	wrdreg s6  }
0xab: {  	[dreg:$0x4] =	wrdreg $0xC0  }
0xac: {  	_ =	task [dreg:s8], $0x5FFFF  }
0xad: {  	[dreg:$0x1] =	wrdreg $0xFFFFFFFF  }
0xae: {  	[dreg:$0x0] =	wrdreg $0x60  }
0xaf: {  	[dreg:$0x2] =	wrdreg s24  }
0xb0: {  	[dreg:$0x3] =	wrdreg s18  }
0xb1: {  	[dreg:$0x4] =	wrdreg s2  }
0xb2: {  	[dreg:$0x5] =	wrdreg $0x0  }
0xb3: {  	[dreg:$0x6] =	wrdreg $0x9  }
0xb4: {  	_ =	task.clear_ibuf [dreg:s8], $0x7FFFF;
	_ =	strace $0x9000004C  }
0xb5: {  	s29 =	simm.s32 $0x9;
	_ =	strace $0x8000004E  }
0xb6: {  	_ =	swait.ge [sflag:s29], $0x1  }
0xb7: {  	[sflag:s29] =	ssyncadd.s32 $0xFFFFFFFF  }
0xb8: {  	_ =	strace $0x9000004E  }
0xb9: {  	_ =	sfence  }
0xba: {  	s30 =	sld [smem:$0x0];
	_ =	sdelay $0x2  }
0xbb: {  	s31 =	sshll.u32 s1, $0xD;
	s1 =	sshrl.u32 s1, $0x2  }
0xbc: {  	s3 =	sand.u32 $0x4000, s31;
	s1 =	sadd.s32 s1, s30  }
0xbd: {  	s0 =	sor.u32 s3, s0;
	s1 =	sshll.u32 s1, $0x11  }
0xbe: {  	s0 =	sor.u32 s1, s0  }
0xbf: {  	s0 =	sadd.s32 $0x8F2B, s0  }
0xc0: {  	[sflag:s0] =	ssyncadd.remote.s32 $0x1  }
0xc1: {  	_ =	sfence.sel $0xFFFF  }
0xc2: {  	[dreg:$0x0] =	wrdreg $0xFFFFFFFF;
	(pc) =	sbr.abs _section_cstart, $3  }
0xc3: {  	[dreg:$0x1] =	wrdreg $0xFFFFFFFF  }
0xc4: {  	_ =	task.clear_ibuf [dreg:s8], $0x2FFFF;
	_ =	strace $0x9FFFFFFF  }
0xc5: {  	(tm) =	ssettm $0x7FFFFFFF  }
tec
execute0_lowered:
.L_overlay_start_1:
0x0: {  	(tag) =	ssettag $0x1  }
0x1: {  	s8 =	rddreg [dreg:$0x0]  }
0x2: {  	s1 =	rddreg [dreg:$0x1]  }
0x3: {  	s2 =	rddreg [dreg:$0x2]  }
0x4: {  	s3 =	rddreg [dreg:$0x3]  }
0x5: {  	s0 =	rddreg [dreg:$0x4];
	s4 =	simm.s32 $0x0;
	s5 =	srdreg.scid  }
0x6: {  	s15 =	simm.s32 $0x2;
	s16 =	simm.s32 $0x1A400;
	s17 =	simm.s32 $0x1A500  }
0x7: {  	s18 =	simm.s32 $0x1A600;
	s19 =	simm.s32 $0xC8;
	[smem:$0x7FF] =	sst s4  }
0x8: {  	s9 =	sand.u32 $0x1, s5;
	s5 =	stileid.u32;
	s6 =	sadd.s32 $0xBC00, s8  }
0x9: {  	s7 =	sadd.s32 $0x1E00, s8;
	s10 =	smul.u32 $0x28000, s9;
	_ =	strace $0x8000004D  }
0xa: {  	s11 =	smul.u32 $0x50000, s5;
	s12 =	ssub.s32 $0x2, s9;
	s9 =	sshll.u32 s9, $0x4  }
0xb: {  	s21 =	smul.u32 $0x2800, s5;
	s22 =	sshll.u32 s5, $0x6;
	s29 =	sshrl.u32 s12, $0x1  }
0xc: {  	s31 =	sor.u32 s5, s9;
	s22 =	sor.u32 $0x1C02, s22;
	s13 =	sadd.s32 s10, s8  }
0xd: {  	s30 =	sshrl.u32 s11, $0x2;
	s14 =	ssub.s32 s12, s29;
	s12 =	smul.u32 $0x2710, s31  }
0xe: {  	s8 =	sadd.s32 s30, s3;
	s20 =	sadd.s32 $0x33C00, s13;
	s13 =	smax.u32 s14, $0x1  }
0xf: {  	s14 =	simm.s32 $0x14000;
	s9 =	sadd.s32 $0x6400, s8;
	s10 =	sadd.s32 $0xC800, s8  }
0x10: {  	v0 =	vimm.f32 $0.0e+00;
	s11 =	sadd.s32 $0x12C00, s8;
	s20 =	sadd.s32 s21, s20;
	s21 =	simm.s32 $0x1  }
.LBB2_1:
0x11: {  	s23 =	simm.s32 $0x0;
	s24 =	simm.s32 $0x200  }
.LBB2_2:
0x12: {  	p0 =	sne.s32 s24, $0x18E00;
	[tilespmem:s23+$0x14070] =	vst v0  }
0x13: {  	[tilespmem:s23+$0x14000] =	vst v0  }
0x14: {  	[tilespmem:s23+$0x14010] =	vst v0  }
.Ltmp0:
0x15: {  	[tilespmem:s23+$0x14020] =	vst v0;
	(pc) =	sbr.rel @p0 .LBB2_2-.Ltmp0, $4  }
0x16: {  	[tilespmem:s23+$0x14030] =	vst v0  }
0x17: {  	[tilespmem:s23+$0x14040] =	vst v0  }
0x18: {  	[tilespmem:s23+$0x14050] =	vst v0  }
0x19: {  	[tilespmem:s23+$0x14060] =	vst v0;
	s23 =	sshra.s32 s24, $0x2;
	s24 =	sadd.s32 $0x200, s24  }
0x1a: {  	[tilespmem:s23+$0x14070] =	vst v0  }
0x1b: {  	[tilespmem:s23+$0x14000] =	vst v0  }
0x1c: {  	[tilespmem:s23+$0x14010] =	vst v0  }
0x1d: {  	[tilespmem:s23+$0x14020] =	vst v0  }
0x1e: {  	[tilespmem:s23+$0x14030] =	vst v0  }
0x1f: {  	[tilespmem:s23+$0x14040] =	vst v0  }
0x20: {  	[tilespmem:s23+$0x14050] =	vst v0  }
0x21: {  	[tilespmem:s23+$0x14060] =	vst v0  }
0x22: {  	[spmem:s8] =	stream.linear.scatter [tilespmem:s14], [sflag:$0x2], $0x6400, $0x38;
	[tilespmem:$0x1A700] =	vst v63  }
0x23: {  	_ =	swait.ge [sflag:s15], $0x6400  }
0x24: {  	[sflag:s15] =	ssyncset.done $0x0  }
0x25: {  	[sflag:s15] =	ssyncadd.s32 $0xFFFF9C00  }
0x26: {  	[spmem:s9] =	stream.linear.scatter [tilespmem:s14], [sflag:$0x2], $0x6400, $0x38;
	[tilespmem:$0x1A700] =	vst v63  }
0x27: {  	_ =	swait.ge [sflag:s15], $0x6400  }
0x28: {  	[sflag:s15] =	ssyncset.done $0x0  }
0x29: {  	[sflag:s15] =	ssyncadd.s32 $0xFFFF9C00  }
0x2a: {  	[spmem:s10] =	stream.linear.scatter [tilespmem:s14], [sflag:$0x2], $0x6400, $0x38;
	[tilespmem:$0x1A700] =	vst v63  }
0x2b: {  	_ =	swait.ge [sflag:s15], $0x6400  }
0x2c: {  	[sflag:s15] =	ssyncset.done $0x0  }
0x2d: {  	[sflag:s15] =	ssyncadd.s32 $0xFFFF9C00  }
0x2e: {  	[spmem:s11] =	stream.linear.scatter [tilespmem:s14], [sflag:$0x2], $0x1400, $0x38;
	[tilespmem:$0x1A700] =	vst v63  }
0x2f: {  	_ =	swait.ge [sflag:s15], $0x1400  }
0x30: {  	[sflag:s15] =	ssyncset.done $0x0  }
0x31: {  	[sflag:s15] =	ssyncadd.s32 $0xFFFFEC00  }
0x32: {  	s23 =	simm.s32 $0x0;
	s24 =	simm.s32 $0x0;
	[bflag:$0x0] =	sbarrier.arrive $0xFFFF  }
.LBB2_4:
0x33: {  	s25 =	smul.u32 $0xC8, s24;
	_ =	sdelay $0x1  }
0x34: {  	s25 =	sadd.s32 s12, s25  }
0x35: {  	s25 =	sshrl.u32 s25, $0x3  }
0x36: {  	s26 =	sadd.s32 s1, s25  }
0x37: {  	[tilespmem:s16], [sflag:$0x2] =	stream.linear.gather [hbm4b:s26+s23], $0xC8, $0x38;
	[tilespmem:$0x1A700] =	vst v63  }
0x38: {  	_ =	swait.ge [sflag:s15], $0xC8  }
0x39: {  	[sflag:s15] =	ssyncset.done $0x0  }
0x3a: {  	s31 =	sadd.s32 s7, s25;
	[sflag:s15] =	ssyncadd.s32 $0xFFFFFF38  }
0x3b: {  	[tilespmem:s17], [sflag:$0x2] =	stream.linear.gather [hbm4b:s31+s23], $0xC8, $0x38;
	[tilespmem:$0x1A700] =	vst v63  }
0x3c: {  	_ =	swait.ge [sflag:s15], $0xC8  }
0x3d: {  	[sflag:s15] =	ssyncset.done $0x0  }
0x3e: {  	s25 =	sadd.s32 s2, s25;
	[sflag:s15] =	ssyncadd.s32 $0xFFFFFF38  }
0x3f: {  	[tilespmem:s18], [sflag:$0x2] =	stream.linear.gather [hbm4b:s25+s23], $0xC8, $0x38;
	[tilespmem:$0x1A700] =	vst v63  }
0x40: {  	_ =	swait.ge [sflag:s15], $0xC8  }
0x41: {  	[sflag:s15] =	ssyncset.done $0x0  }
0x42: {  	[sflag:s15] =	ssyncadd.s32 $0xFFFFFF38  }
0x43: {  	[tilespmem:s14], [sflag:$0x1] =	stream.indirect.gather [hbm4b:s6+s19], $0x80, s16, s19, $0xb8;
	[tilespmem:$0x1A700] =	vst v63  }
0x44: {  	_ =	swait.ge [sflag:s21], $0x6400  }
0x45: {  	v1 =	vmov s23;
	[sflag:s21] =	ssyncset.done $0x0  }
0x46: {  	s25 =	simm.s32 $0x14040;
	[sflag:s21] =	ssyncadd.s32 $0xFFFF9C00  }
0x47: {  	v5 =	vld [tilespmem:s25+$0x30]  }
0x48: {  	v8 =	vld [tilespmem:s25+$0x10]  }
0x49: {  	v6 =	vld [tilespmem:s25+$0xFFFFFFC0]  }
0x4a: {  	v2 =	vld.idx.msk [tilespmem:v1+s18+$0x0], $0xffff  }
0x4b: {  	v10 =	vld [tilespmem:s25+$0xFFFFFFE0]  }
0x4c: {  	v1 =	vld [tilespmem:s25+$0xFFFFFFF0]  }
0x4d: {  	v3 =	vld [tilespmem:s25+$0x20]  }
0x4e: {  	v4 =	vld [tilespmem:s25+$0xFFFFFFD0]  }
0x4f: {  	v9 =	vmul.f32 v5, v2;
	v5 =	vld [tilespmem:s25+$0x0]  }
0x50: {  	v7 =	vmul.f32 v6, v2  }
0x51: {  	s28 =	simm.s32 $0x14040;
	s26 =	simm.s32 $0x1;
	v6 =	vmul.f32 v10, v2;
	v8 =	vmul.f32 v8, v2  }
.LBB2_5:
0x52: {  	p0 =	sne.s32 s26, $0xC7  }
0x53: {  	v4 =	vmul.f32 v4, v2;
	v3 =	vmul.f32 v3, v2;
	[tilespmem:s25+$0x30] =	vst v9;
	s28 =	sadd.s32 $0x80, s28;
	s29 =	smov.u32 s26;
	s26 =	sadd.s32 $0x1, s26  }
0x54: {  	[tilespmem:s25+$0xFFFFFFC0] =	vst v7;
	v7 =	vmul.f32 v1, v2;
	v2 =	vmul.f32 v5, v2  }
0x55: {  	[tilespmem:s25+$0x10] =	vst v8  }
0x56: {  	v5 =	vmov s29;
	[tilespmem:s25+$0xFFFFFFE0] =	vst v6  }
0x57: {  	v1 =	vld [tilespmem:s28+$0xFFFFFFF0];
	[tilespmem:s25+$0xFFFFFFF0] =	vst v7  }
0x58: {  	v6 =	vld [tilespmem:s28+$0x30];
	[tilespmem:s25+$0x0] =	vst v2  }
0x59: {  	v8 =	vld [tilespmem:s28+$0x10];
	[tilespmem:s25+$0x20] =	vst v3  }
0x5a: {  	v7 =	vld [tilespmem:s28+$0xFFFFFFC0];
	[tilespmem:s25+$0xFFFFFFD0] =	vst v4;
	s25 =	smov.u32 s28  }
0x5b: {  	v2 =	vld.idx.msk [tilespmem:v5+s18+$0x0], $0xffff  }
0x5c: {  	v10 =	vld [tilespmem:s28+$0xFFFFFFE0]  }
0x5d: {  	v3 =	vld [tilespmem:s28+$0x20]  }
.Ltmp1:
0x5e: {  	v4 =	vld [tilespmem:s28+$0xFFFFFFD0];
	(pc) =	sbr.rel @p0 .LBB2_5-.Ltmp1, $3  }
0x5f: {  	v5 =	vld [tilespmem:s28+$0x0];
	_ =	sdelay $0x1  }
0x60: {  	v7 =	vmul.f32 v7, v2;
	v9 =	vmul.f32 v6, v2  }
0x61: {  	v8 =	vmul.f32 v8, v2;
	v6 =	vmul.f32 v10, v2  }
0x62: {  	[tilespmem:s25+$0x30] =	vst v9  }
0x63: {  	[tilespmem:s25+$0xFFFFFFC0] =	vst v7  }
0x64: {  	v1 =	vmul.f32 v1, v2;
	[tilespmem:s25+$0x10] =	vst v8  }
0x65: {  	v3 =	vmul.f32 v3, v2;
	[tilespmem:s25+$0xFFFFFFE0] =	vst v6  }
0x66: {  	v5 =	vmul.f32 v5, v2;
	[tilespmem:s25+$0xFFFFFFF0] =	vst v1  }
0x67: {  	s24 =	sadd.s32 $0x1, s24;
	v1 =	vmul.f32 v4, v2;
	[tilespmem:s25+$0x20] =	vst v3  }
0x68: {  	p0 =	sne.s32 s24, $0x32;
	[tilespmem:s25+$0x0] =	vst v5  }
.Ltmp2:
0x69: {  	[tilespmem:s25+$0xFFFFFFD0] =	vst v1;
	(pc) =	sbr.rel @p0 .LBB2_4-.Ltmp2, $4  }
0x6a: {  	[spmem:s3] =	stream.indirect.scatter.add.f32 [tilespmem:s14], [sflag:$0x1], $0x80, s17, s19, $0xb8;
	[tilespmem:$0x1A700] =	vst v63  }
0x6b: {  	_ =	swait.ge [sflag:s21], $0x6400  }
0x6c: {  	[sflag:s21] =	ssyncset.done $0x0  }
0x6d: {  	[sflag:s21] =	ssyncadd.s32 $0xFFFF9C00  }
0x6e: {  	s4 =	sadd.s32 $0x1, s4  }
0x6f: {  	p0 =	sne.s32 s4, s13  }
.Ltmp3:
0x70: {  	[bflag:$0x0] =	sbarrier.arrive $0xFFFF;
	s23 =	sshrl.u32 s8, $0x3;
	(pc) =	sbr.rel @p0 .LBB2_1-.Ltmp3, $4  }
0x71: {  	[hbm:s20], [sflag:s22] =	dma.local [spmem:s23], $0x2800  }
0x72: {  	_ =	swait.ge [sflag:s15], $0x2800  }
0x73: {  	[sflag:s15] =	ssyncset.done $0x0  }
0x74: {  	[sflag:s15] =	ssyncadd.s32 $0xFFFFD800  }
0x75: {  	_ =	sfence.sel $0x180000  }
0x76: {  	[bflag:$0x0] =	sbarrier.arrive $0xFFFF  }
0x77: {  	p0 =	sne.s32 s5, $0x0;
	_ =	strace $0x9000004D  }
0x78: {  	s0 =	sadd.s32 @!p0 $0x100000, s0;
	[bflag:$0x2] =	sbarrier.arrive $0xFFFF  }
0x79: {  	[sflag:s0] =	ssyncadd.tile.s32 @!p0 $0x1;
	_ =	shalt  }
.Lfunc_end2:
_tile_overlayer_lowered:
.L_overlay_start_2:
0x7a: {  	(tag) =	ssettag $0x2  }
0x7b: {  	s0 =	rddreg [dreg:$0x0];
	s2 =	stileid.u32  }
0x7c: {  	s1 =	rddreg [dreg:$0x1];
	p0 =	sne.s32 s2, $0x0  }
0x7d: {  	s3 =	rddreg [dreg:$0x2];
	[bflag:$0x3] =	sbarrier.arrive $0xFFFF;
	s2 =	simm.s32 @!p0 $0x1C02  }
0x7e: {  	[timem:s3], [sflag:s2] =	dma.local @!p0 [hbm:s0], s1  }
0x7f: {  	s0 =	simm.s32 @!p0 $0x2  }
0x80: {  	_ =	swait.ge @!p0 [sflag:s0], s1  }
0x81: {  	s1 =	ssub.s32 @!p0 $0x0, s1;
	[sflag:s0] =	ssyncset.done @!p0 $0x0  }
0x82: {  	[sflag:s0] =	ssyncadd.s32 @!p0 s1  }
0x83: {  	[bflag:$0x3] =	sbarrier.arrive $0xFFFF  }
0x84: {  	_ =	shalt  }

// kernel: kernel.9.cloned.1.call-start
scs
__scs_entry_jumppad:
0x0: {  	(pc) =	sbr.rel $0x88, $3  }
0x1: {  	(tag) =	ssettag $0x0;
	lr =	simm.s32 $0x1  }
0x2: {  	[smem:$0x3F9A] =	sst lr;
	_ =	strace $0xD0000000  }
0x3: {  	_ = 	snop  }
0x4: {  	_ = 	snop  }
0x5: {  	_ = 	snop  }
0x6: {  	_ = 	snop  }
0x7: {  	_ = 	snop  }
__scs_overlays_trampoline_lowered:
0x8: {  	[smem:$0x3FA9] =	sst s0  }
0x9: {  	[smem:$0x3FAA] =	sst s1  }
0xa: {  	[smem:$0x3FAB] =	sst s2  }
0xb: {  	[smem:$0x3FAC] =	sst s3  }
0xc: {  	[smem:$0x3FAD] =	sst s4  }
0xd: {  	[smem:$0x3FAE] =	sst s5  }
0xe: {  	[smem:$0x3FAF] =	sst s6  }
0xf: {  	[smem:$0x3FB0] =	sst s7  }
0x10: {  	[smem:$0x3FB1] =	sst s8  }
0x11: {  	[smem:$0x3FB2] =	sst s9;
	s0 =	simm.s32 @!p0 $0x0  }
0x12: {  	s1 =	sld [smem:$0x3F98];
	s0 =	simm.s32 @p0 $0x1  }
0x13: {  	[smem:$0x3FB3] =	sst s0;
	s0 =	simm.s32 @!p1 $0x0  }
0x14: {  	s2 =	sld [smem:$0x3F97];
	s0 =	simm.s32 @p1 $0x1  }
0x15: {  	[smem:$0x3FB4] =	sst s0;
	s0 =	simm.s32 @!p2 $0x0  }
0x16: {  	s3 =	sld [smem:$0x3FDB];
	s0 =	simm.s32 @p2 $0x1  }
0x17: {  	s4 =	simm.s32 $0x1BF5;
	[smem:$0x3FB6] =	sst s0  }
0x18: {  	s0 =	sld [smem:$0x3F99];
	_ =	swait.ge [sflag:s4], $0x0  }
0x19: {  	s7 =	sld [smem:$0x3F9A]  }
0x1a: {  	s8 =	sadd.s32 $0xFFFFE003, lr  }
0x1b: {  	s9 =	sadd.s32 $0xFFFFFEF7, lr;
	s5 =	simm.s32 $0xFFFFFFFF;
	p2 =	slt.u32 s8, $0xFFFFF086  }
0x1c: {  	p1 =	slt.u32 s9, $0xF7A;
	s5 =	simm.s32 @!p2 $0x0  }
0x1d: {  	s5 =	simm.s32 @p1 $0x1;
	p0 =	seq.s32 s7, s2  }
0x1e: {  	s7 =	smul.u32 @!p0 $0xF7A, s2;
	p2 =	seq.s32 @!p0 s5, $0x0  }
0x1f: {  	s9 =	smul.u32 $0xF7A, s1;
	s8 =	simm.s32 @!p0 $0x1BF5;
	p2 =	por !p2, p0  }
0x20: {  	[sflag:s8] =	ssyncset.s32 @!p0 $0xFFFFF086;
	s6 =	sadd.s32 @!p0 s3, s7;
	s7 =	simm.s32 @!p0 $0x108  }
0x21: {  	s3 =	sadd.s32 s3, s9;
	s6 =	sadd.s32 @!p0 $0x88, s6;
	s7 =	simm.s32 @p2 $0x1082  }
0x22: {  	[simem:s7], [sflag:s8] =	dma.local @!p0 [hbm:s6], $0xF7A  }
0x23: {  	s9 =	sor.u32 $0xD0000000, s2;
	s6 =	simm.s32 $0x108;
	_ =	swait.ge @!p0 [sflag:s8], $0x0  }
0x24: {  	s3 =	sadd.s32 $0x88, s3;
	s6 =	simm.s32 @!p1 $0x1082;
	[sflag:s4] =	ssyncset.s32 $0xFFFFF086  }
0x25: {  	[simem:s6], [sflag:s4] =	dma.local [hbm:s3], $0xF7A  }
0x26: {  	[smem:$0x3F9A] =	sst s1;
	(tag) =	ssettag s2;
	_ =	strace s9  }
0x27: {  	s1 =	sld [smem:$0x3FAA]  }
0x28: {  	s2 =	sld [smem:$0x3FAB]  }
0x29: {  	s4 =	sld [smem:$0x3FAD]  }
0x2a: {  	p0 =	seq.s32 s5, $0x0;
	s5 =	sld [smem:$0x3FAE]  }
0x2b: {  	s6 =	sld [smem:$0x3FAF]  }
0x2c: {  	s7 =	sld [smem:$0x3FB0]  }
0x2d: {  	s3 =	simm.s32 $0x108;
	s8 =	sld [smem:$0x3FB1]  }
0x2e: {  	s3 =	simm.s32 @!p0 $0x1082;
	s9 =	sld [smem:$0x3FB2]  }
0x2f: {  	lr =	sadd.s32 s0, s3;
	s0 =	sld [smem:$0x3FA9]  }
0x30: {  	s3 =	sld [smem:$0x3FAC]  }
0x31: {  	[smem:$0x3FB5] =	sst s10  }
0x32: {  	s10 =	sld [smem:$0x3FB3];
	_ =	sdelay $0x3  }
0x33: {  	p0 =	seq.s32 s10, $0x1;
	s10 =	sld [smem:$0x3FB5];
	_ =	sdelay $0x3  }
0x34: {  	[smem:$0x3FB5] =	sst s10  }
0x35: {  	s10 =	sld [smem:$0x3FB4];
	_ =	sdelay $0x3  }
0x36: {  	p1 =	seq.s32 s10, $0x1;
	s10 =	sld [smem:$0x3FB5];
	_ =	sdelay $0x3  }
0x37: {  	[smem:$0x3FB5] =	sst s10  }
0x38: {  	s10 =	sld [smem:$0x3FB6]  }
0x39: {  	_ = 	snop;
	(pc) =	sbr.ind lr, $3  }
0x3a: {  	_ = 	snop  }
0x3b: {  	_ = 	snop  }
0x3c: {  	p2 =	seq.s32 s10, $0x1;
	s10 =	sld [smem:$0x3FB5]  }
0x3d: {  	_ =	shalt  }
0x3e: {  	_ =	shalt  }
0x3f: {  	_ =	shalt  }
0x40: {  	_ =	shalt  }
0x41: {  	_ =	shalt  }
0x42: {  	_ =	shalt  }
0x43: {  	_ =	shalt  }
0x44: {  	_ =	shalt  }
0x45: {  	_ =	shalt  }
0x46: {  	_ =	shalt  }
0x47: {  	_ =	shalt  }
0x48: {  	_ =	shalt  }
0x49: {  	_ =	shalt  }
0x4a: {  	_ =	shalt  }
0x4b: {  	_ =	shalt  }
0x4c: {  	_ =	shalt  }
0x4d: {  	_ =	shalt  }
0x4e: {  	_ =	shalt  }
0x4f: {  	_ =	shalt  }
0x50: {  	_ =	shalt  }
0x51: {  	_ =	shalt  }
0x52: {  	_ =	shalt  }
0x53: {  	_ =	shalt  }
0x54: {  	_ =	shalt  }
0x55: {  	_ =	shalt  }
0x56: {  	_ =	shalt  }
0x57: {  	_ =	shalt  }
0x58: {  	_ =	shalt  }
0x59: {  	_ =	shalt  }
0x5a: {  	_ =	shalt  }
0x5b: {  	_ =	shalt  }
0x5c: {  	_ =	shalt  }
0x5d: {  	_ =	shalt  }
0x5e: {  	_ =	shalt  }
0x5f: {  	_ =	shalt  }
0x60: {  	_ =	shalt  }
0x61: {  	_ =	shalt  }
0x62: {  	_ =	shalt  }
0x63: {  	_ =	shalt  }
0x64: {  	_ =	shalt  }
0x65: {  	_ =	shalt  }
0x66: {  	_ =	shalt  }
0x67: {  	_ =	shalt  }
0x68: {  	_ =	shalt  }
0x69: {  	_ =	shalt  }
0x6a: {  	_ =	shalt  }
0x6b: {  	_ =	shalt  }
0x6c: {  	_ =	shalt  }
0x6d: {  	_ =	shalt  }
0x6e: {  	_ =	shalt  }
0x6f: {  	_ =	shalt  }
0x70: {  	_ =	shalt  }
0x71: {  	_ =	shalt  }
0x72: {  	_ =	shalt  }
0x73: {  	_ =	shalt  }
0x74: {  	_ =	shalt  }
0x75: {  	_ =	shalt  }
0x76: {  	_ =	shalt  }
0x77: {  	_ =	shalt  }
0x78: {  	_ =	shalt  }
0x79: {  	_ =	shalt  }
0x7a: {  	_ =	shalt  }
0x7b: {  	_ =	shalt  }
0x7c: {  	_ =	shalt  }
0x7d: {  	_ =	shalt  }
0x7e: {  	_ =	shalt  }
0x7f: {  	_ =	shalt  }
0x80: {  	_ =	shalt  }
0x81: {  	_ =	shalt  }
0x82: {  	_ =	shalt  }
0x83: {  	_ =	shalt  }
0x84: {  	_ =	shalt  }
0x85: {  	_ =	shalt  }
0x86: {  	_ =	shalt  }
0x87: {  	_ =	shalt  }
.Lfunc_end0:
.L_simem_size_0:
called_computation_lowered:
.L_overlay_start_0:
0x88: {  	s2 =	sld [smem:$0x3FD9]  }
0x89: {  	s3 =	sld [smem:$0x3FFE];
	_ =	sdelay $0x1  }
0x8a: {  	s1 =	srdreg.scid  }
0x8b: {  	s0 =	sand.u32 $0x1, s1  }
0x8c: {  	s17 =	sshll.u32 s0, $0xA;
	s2 =	sadd.s32 s3, s2  }
0x8d: {  	s2 =	sadd.s32 s2, s17  }
0x8e: {  	[smem:$0x3FC1] =	sst s2  }
0x8f: {  	_ = 	snop  }
0x90: {  	s2 =	sld [smem:$0x3FC7];
	(tm) =	ssettm $0x1  }
0x91: {  	s18 =	sld [smem:$0x3FFB];
	_ =	sdelay $0x3  }
0x92: {  	_ =	strace s18  }
0x93: {  	s3 =	sld [smem:$0x3FFC];
	_ =	sdelay $0x3  }
0x94: {  	_ =	strace s3  }
0x95: {  	s3 =	sld [smem:$0x3FFD];
	_ =	sdelay $0x3  }
0x96: {  	_ =	strace s3  }
0x97: {  	_ =	strace $0x8FFFFFFF  }
0x98: {  	s19 =	sld [smem:$0x3FDB];
	_ =	sdelay $0x1  }
0x99: {  	s4 =	simm.s32 $_scs_section_size  }
0x9a: {  	s5 =	simm.s32 $_size__tile_overlayer_lowered;
	s6 =	simm.s32 $_tile_overlayer_lowered  }
0x9b: {  	s22 =	simm.s32 $0x1BFF;
	s21 =	sshll.u32 s6, $0x1;
	s3 =	sadd.s32 s4, s19  }
0x9c: {  	s7 =	simm.s32 $0x0;
	s20 =	sshll.u32 s5, $0x1;
	s5 =	sadd.s32 s21, s3  }
0x9d: {  	[timem:s7], [sflag:s22] =	dma.local [hbm:s5], s20  }
0x9e: {  	_ =	swait.ge [sflag:s22], s20  }
0x9f: {  	s4 =	ssub.s32 $0x0, s20;
	[sflag:s22] =	ssyncset.done $0x0  }
0xa0: {  	[sflag:s22] =	ssyncadd.s32 s4;
	_ =	sdelay $0x1  }
0xa1: {  	s23 =	simm.s32 $0x1B8B  }
0xa2: {  	_ =	swait.ge [sflag:s23], $0x1  }
0xa3: {  	[sflag:s23] =	ssyncset.done $0x0  }
0xa4: {  	s25 =	simm.s32 $0x1B8E;
	s24 =	sld [smem:$0x3FFE];
	[sflag:s23] =	ssyncadd.s32 $0xFFFFFFFF  }
0xa5: {  	s26 =	simm.s32 $execute0_lowered;
	[smem:$0x3FD2] =	sst s25  }
0xa6: {  	s5 =	sshll.u32 s26, $0x1;
	_ =	strace $0x80000046;
	[dreg:$0x1] =	wrdreg $0xFFFFFFFF  }
0xa7: {  	s28 =	simm.s32 $_size_execute0_lowered;
	s3 =	sadd.s32 s3, s5;
	[dreg:$0x0] =	wrdreg $0x0  }
0xa8: {  	s5 =	sshll.u32 s28, $0x1;
	[dreg:$0x2] =	wrdreg s3  }
0xa9: {  	[dreg:$0x3] =	wrdreg s5  }
0xaa: {  	[dreg:$0x4] =	wrdreg $0xC0  }
0xab: {  	_ =	task [dreg:s7], $0x5FFFF  }
0xac: {  	[dreg:$0x1] =	wrdreg $0xFFFFFFFF  }
0xad: {  	[dreg:$0x0] =	wrdreg $0x60  }
0xae: {  	[dreg:$0x2] =	wrdreg s24  }
0xaf: {  	[dreg:$0x3] =	wrdreg s2  }
0xb0: {  	[dreg:$0x4] =	wrdreg $0x0  }
0xb1: {  	[dreg:$0x5] =	wrdreg $0x9  }
0xb2: {  	_ =	task.clear_ibuf [dreg:s7], $0x6FFFF;
	_ =	strace $0x90000046  }
0xb3: {  	s29 =	simm.s32 $0x9;
	_ =	strace $0x80000048  }
0xb4: {  	_ =	swait.ge [sflag:s29], $0x1  }
0xb5: {  	[sflag:s29] =	ssyncadd.s32 $0xFFFFFFFF  }
0xb6: {  	_ =	strace $0x90000048  }
0xb7: {  	_ =	sfence  }
0xb8: {  	s30 =	sld [smem:$0x0];
	_ =	sdelay $0x2  }
0xb9: {  	s31 =	sshll.u32 s1, $0xD;
	s1 =	sshrl.u32 s1, $0x2  }
0xba: {  	s3 =	sand.u32 $0x4000, s31;
	s1 =	sadd.s32 s1, s30  }
0xbb: {  	s0 =	sor.u32 s3, s0;
	s1 =	sshll.u32 s1, $0x11  }
0xbc: {  	s0 =	sor.u32 s1, s0  }
0xbd: {  	s0 =	sadd.s32 $0x8F2B, s0  }
0xbe: {  	[sflag:s0] =	ssyncadd.remote.s32 $0x1  }
0xbf: {  	_ =	sfence.sel $0xFFFF  }
0xc0: {  	[dreg:$0x0] =	wrdreg $0xFFFFFFFF;
	(pc) =	sbr.abs _section_cstart, $3  }
0xc1: {  	[dreg:$0x1] =	wrdreg $0xFFFFFFFF  }
0xc2: {  	_ =	task.clear_ibuf [dreg:s7], $0x2FFFF;
	_ =	strace $0x9FFFFFFF  }
0xc3: {  	(tm) =	ssettm $0x7FFFFFFF  }
tec
execute0_lowered:
.L_overlay_start_1:
0x0: {  	(tag) =	ssettag $0x1  }
0x1: {  	s6 =	rddreg [dreg:$0x0]  }
0x2: {  	s1 =	rddreg [dreg:$0x1]  }
0x3: {  	s2 =	rddreg [dreg:$0x2]  }
0x4: {  	s3 =	srdreg.scid;
	s0 =	rddreg [dreg:$0x3]  }
0x5: {  	s4 =	simm.s32 $0x0;
	s13 =	simm.s32 $0x2;
	s14 =	simm.s32 $0x8C00  }
0x6: {  	s15 =	simm.s32 $0x8D00;
	s16 =	simm.s32 $0xC8;
	s7 =	sand.u32 $0x1, s3  }
0x7: {  	s17 =	simm.s32 $0x1;
	s3 =	stileid.u32;
	s8 =	smul.u32 $0x28000, s7  }
0x8: {  	[smem:$0x7FF] =	sst s4;
	s5 =	sadd.s32 $0x1E00, s6;
	s9 =	smul.u32 $0x50000, s3  }
0x9: {  	_ =	strace $0x80000047;
	s10 =	ssub.s32 $0x2, s7;
	s7 =	sshll.u32 s7, $0x4  }
0xa: {  	s19 =	smul.u32 $0x2800, s3;
	s20 =	sshll.u32 s3, $0x6;
	s29 =	sshrl.u32 s10, $0x1  }
0xb: {  	s31 =	sor.u32 s3, s7;
	s11 =	sadd.s32 s8, s6;
	s30 =	sshrl.u32 s9, $0x2  }
0xc: {  	s12 =	ssub.s32 s10, s29;
	s10 =	smul.u32 $0x2710, s31;
	s6 =	sadd.s32 s30, s2  }
0xd: {  	s18 =	sadd.s32 $0xBC00, s11;
	s11 =	smax.u32 s12, $0x1;
	s12 =	simm.s32 $0x2800  }
0xe: {  	s7 =	sadd.s32 $0x6400, s6;
	s8 =	sadd.s32 $0xC800, s6;
	s9 =	sadd.s32 $0x12C00, s6  }
0xf: {  	v0 =	vimm.f32 $0.0e+00;
	s18 =	sadd.s32 s19, s18;
	s19 =	sor.u32 $0x1C02, s20;
	s20 =	sshrl.u32 s6, $0x3  }
.LBB2_1:
0x10: {  	s21 =	simm.s32 $0x200;
	s22 =	simm.s32 $0x0  }
.LBB2_2:
0x11: {  	p0 =	sne.s32 s21, $0x18E00;
	[tilespmem:s22+$0x2800] =	vst v0;
	s22 =	smov.u32 s21;
	s21 =	sadd.s32 $0x200, s21  }
.Ltmp0:
0x12: {  	(pc) =	sbr.rel @p0 .LBB2_2-.Ltmp0, $2  }
0x13: {  	_ =	sdelay $0x2  }
0x14: {  	s22 =	sshra.s32 s22, $0x2  }
0x15: {  	[tilespmem:s22+$0x2800] =	vst v0  }
0x16: {  	[spmem:s6] =	stream.linear.scatter [tilespmem:s12], [sflag:$0x2], $0x6400, $0x38;
	[tilespmem:$0x8E00] =	vst v63  }
0x17: {  	_ =	swait.ge [sflag:s13], $0x6400  }
0x18: {  	[sflag:s13] =	ssyncset.done $0x0  }
0x19: {  	[sflag:s13] =	ssyncadd.s32 $0xFFFF9C00  }
0x1a: {  	[spmem:s7] =	stream.linear.scatter [tilespmem:s12], [sflag:$0x2], $0x6400, $0x38;
	[tilespmem:$0x8E00] =	vst v63  }
0x1b: {  	_ =	swait.ge [sflag:s13], $0x6400  }
0x1c: {  	[sflag:s13] =	ssyncset.done $0x0  }
0x1d: {  	[sflag:s13] =	ssyncadd.s32 $0xFFFF9C00  }
0x1e: {  	[spmem:s8] =	stream.linear.scatter [tilespmem:s12], [sflag:$0x2], $0x6400, $0x38;
	[tilespmem:$0x8E00] =	vst v63  }
0x1f: {  	_ =	swait.ge [sflag:s13], $0x6400  }
0x20: {  	[sflag:s13] =	ssyncset.done $0x0  }
0x21: {  	[sflag:s13] =	ssyncadd.s32 $0xFFFF9C00  }
0x22: {  	[spmem:s9] =	stream.linear.scatter [tilespmem:s12], [sflag:$0x2], $0x1400, $0x38;
	[tilespmem:$0x8E00] =	vst v63  }
0x23: {  	_ =	swait.ge [sflag:s13], $0x1400  }
0x24: {  	[sflag:s13] =	ssyncset.done $0x0  }
0x25: {  	[sflag:s13] =	ssyncadd.s32 $0xFFFFEC00  }
0x26: {  	s21 =	simm.s32 $0x0;
	s22 =	simm.s32 $0x0;
	[bflag:$0x0] =	sbarrier.arrive $0xFFFF  }
.LBB2_4:
0x27: {  	s23 =	smul.u32 $0xC8, s22;
	_ =	sdelay $0x1  }
0x28: {  	s23 =	sadd.s32 s10, s23  }
0x29: {  	s23 =	sshrl.u32 s23, $0x3  }
0x2a: {  	s24 =	sadd.s32 s5, s23  }
0x2b: {  	[tilespmem:s14], [sflag:$0x2] =	stream.linear.gather [hbm4b:s24+s21], $0xC8, $0x38;
	[tilespmem:$0x8E00] =	vst v63  }
0x2c: {  	_ =	swait.ge [sflag:s13], $0xC8  }
0x2d: {  	[sflag:s13] =	ssyncset.done $0x0  }
0x2e: {  	v1 =	vmov s21;
	s23 =	sadd.s32 s1, s23;
	[sflag:s13] =	ssyncadd.s32 $0xFFFFFF38  }
0x2f: {  	[tilespmem:s15], [sflag:$0x2] =	stream.linear.gather [hbm4b:s23+s21], $0xC8, $0x38;
	[tilespmem:$0x8E00] =	vst v63  }
0x30: {  	_ =	swait.ge [sflag:s13], $0xC8  }
0x31: {  	[sflag:s13] =	ssyncset.done $0x0  }
0x32: {  	[sflag:s13] =	ssyncadd.s32 $0xFFFFFF38  }
0x33: {  	s30 =	simm.s32 $0x1;
	v1 =	vld.idx.msk [tilespmem:v1+s15+$0x0], $0xffff  }
0x34: {  	v2 =	vmov s30;
	_ =	sdelay $0x2  }
0x35: {  	s23 =	simm.s32 $0x2800  }
0x36: {  	[tilespmem:s23+$0x0] =	vst v1  }
0x37: {  	s31 =	simm.s32 $0x2;
	v1 =	vld.idx.msk [tilespmem:v2+s15+$0x0], $0xffff  }
0x38: {  	s24 =	simm.s32 $0x3;
	v2 =	vmov s31  }
.LBB2_5:
0x39: {  	p0 =	sne.s32 s24, $0xC7;
	_ =	sdelay $0x1  }
.Ltmp1:
0x3a: {  	s23 =	sadd.s32 $0x80, s23;
	(pc) =	sbr.rel @p0 .LBB2_5-.Ltmp1, $3  }
0x3b: {  	[tilespmem:s23+$0x0] =	vst v1  }
0x3c: {  	v1 =	vld.idx.msk [tilespmem:v2+s15+$0x0], $0xffff;
	_ =	sdelay $0x1  }
0x3d: {  	v2 =	vmov s24;
	s24 =	sadd.s32 $0x1, s24  }
0x3e: {  	_ =	sdelay $0x1  }
0x3f: {  	s23 =	sadd.s32 $0x80, s23  }
0x40: {  	[tilespmem:s23+$0x0] =	vst v1  }
0x41: {  	v1 =	vld.idx.msk [tilespmem:v2+s15+$0x0], $0xffff;
	_ =	sdelay $0x2  }
0x42: {  	s22 =	sadd.s32 $0x1, s22  }
0x43: {  	p0 =	sne.s32 s22, $0x32;
	s23 =	sadd.s32 $0x80, s23  }
.Ltmp2:
0x44: {  	[tilespmem:s23+$0x0] =	vst v1;
	(pc) =	sbr.rel @p0 .LBB2_4-.Ltmp2, $4  }
0x45: {  	[spmem:s2] =	stream.indirect.scatter.add.f32 [tilespmem:s12], [sflag:$0x1], $0x10, s14, s16, $0xb8;
	[tilespmem:$0x8E00] =	vst v63  }
0x46: {  	_ =	swait.ge [sflag:s17], $0xC80  }
0x47: {  	[sflag:s17] =	ssyncset.done $0x0  }
0x48: {  	[sflag:s17] =	ssyncadd.s32 $0xFFFFF380  }
0x49: {  	s4 =	sadd.s32 $0x1, s4  }
0x4a: {  	p0 =	sne.s32 s4, s11  }
.Ltmp3:
0x4b: {  	[bflag:$0x0] =	sbarrier.arrive $0xFFFF;
	(pc) =	sbr.rel @p0 .LBB2_1-.Ltmp3, $4  }
0x4c: {  	[hbm:s18], [sflag:s19] =	dma.local [spmem:s20], $0x2800  }
0x4d: {  	_ =	swait.ge [sflag:s13], $0x2800  }
0x4e: {  	[sflag:s13] =	ssyncset.done $0x0  }
0x4f: {  	[sflag:s13] =	ssyncadd.s32 $0xFFFFD800  }
0x50: {  	_ =	sfence.sel $0x180000  }
0x51: {  	[bflag:$0x0] =	sbarrier.arrive $0xFFFF  }
0x52: {  	p0 =	sne.s32 s3, $0x0;
	_ =	strace $0x90000047  }
0x53: {  	s0 =	sadd.s32 @!p0 $0x100000, s0;
	[bflag:$0x2] =	sbarrier.arrive $0xFFFF  }
0x54: {  	[sflag:s0] =	ssyncadd.tile.s32 @!p0 $0x1;
	_ =	shalt  }
.Lfunc_end2:
_tile_overlayer_lowered:
.L_overlay_start_2:
0x55: {  	(tag) =	ssettag $0x2  }
0x56: {  	s0 =	rddreg [dreg:$0x0];
	s2 =	stileid.u32  }
0x57: {  	s1 =	rddreg [dreg:$0x1];
	p0 =	sne.s32 s2, $0x0  }
0x58: {  	s3 =	rddreg [dreg:$0x2];
	[bflag:$0x3] =	sbarrier.arrive $0xFFFF;
	s2 =	simm.s32 @!p0 $0x1C02  }
0x59: {  	[timem:s3], [sflag:s2] =	dma.local @!p0 [hbm:s0], s1  }
0x5a: {  	s0 =	simm.s32 @!p0 $0x2  }
0x5b: {  	_ =	swait.ge @!p0 [sflag:s0], s1  }
0x5c: {  	s1 =	ssub.s32 @!p0 $0x0, s1;
	[sflag:s0] =	ssyncset.done @!p0 $0x0  }
0x5d: {  	[sflag:s0] =	ssyncadd.s32 @!p0 s1  }
0x5e: {  	[bflag:$0x3] =	sbarrier.arrive $0xFFFF  }
0x5f: {  	_ =	shalt  }

</sc_bundles>
